<compile_context>
chip_gen: v7x
topology: tpu7x:2x2x1
jax: 0.10.2.dev20260603
libtpu: 0.0.44.dev20260713+nightly
codegen_flags: <defaults>
</compile_context>

<pallas_src>
import functools

import jax
import jax.numpy as jnp
from jax import lax
from jax.experimental import pallas as pl
from jax.experimental.pallas import tpu as pltpu
from jax.experimental.pallas import tpu_sc as plsc

VOCAB = 100000
EMBED = 100
EP = 128
PK = EP // 2
SEQ = 260
BATCH = 4096
NC = 2
NS = 16
NW = NC * NS
BPW = BATCH // NW

_NCHUNK = PK // 16


def _sc_body(xT_hbm, tbl_hbm, wt_hbm, out_hbm,
             w_buf, xblk, rows0, rows1, accv,
             sem_w, sem_x, sg0, sg1):
  cid = lax.axis_index("c")
  sid = lax.axis_index("s")
  wid = sid * NC + cid
  base = wid * BPW

  cp_w = pltpu.async_copy(wt_hbm, w_buf, sem_w)
  cp_x = pltpu.async_copy(xT_hbm.at[:, pl.ds(base, BPW)], xblk, sem_x)

  zero = jnp.zeros((16,), jnp.float32)
  c16 = jnp.full((16,), 16, jnp.int32)
  cmask = jnp.full((16,), -65536, jnp.int32)

  def zbody(i, _):
    accv[i, pl.ds(0, 16)] = zero
    accv[i, pl.ds(16, 16)] = zero
    return 0

  lax.fori_loop(0, BPW, zbody, 0)

  cp_x.wait()
  pltpu.async_copy(tbl_hbm.at[xblk.at[0]], rows0, sg0)
  cp_w.wait()

  def compute(l, rows):
    ws = [[[w_buf[l, c, k, p, pl.ds(0, 16)] for p in range(2)]
           for k in range(_NCHUNK)] for c in range(2)]

    def bbody(bb, _):
      a0 = accv[bb, pl.ds(0, 16)]
      a1 = accv[bb, pl.ds(16, 16)]
      for k in range(_NCHUNK):
        iv = rows[bb, pl.ds(k * 16, 16)]
        lo = lax.bitcast_convert_type(lax.shift_left(iv, c16), jnp.float32)
        hi = lax.bitcast_convert_type(lax.bitwise_and(iv, cmask), jnp.float32)
        a0 = a0 + lo * ws[0][k][0] + hi * ws[0][k][1]
        a1 = a1 + lo * ws[1][k][0] + hi * ws[1][k][1]
      accv[bb, pl.ds(0, 16)] = a0
      accv[bb, pl.ds(16, 16)] = a1
      return 0

    lax.fori_loop(0, BPW, bbody, 0, unroll=4)

  def tbody(t, _):
    l0 = 2 * t
    l1 = l0 + 1
    pltpu.async_copy(tbl_hbm.at[xblk.at[l1]], rows1, sg1)
    pltpu.make_async_copy(tbl_hbm.at[xblk.at[l0]], rows0, sg0).wait()
    compute(l0, rows0)

    @pl.when(t < SEQ // 2 - 1)
    def _():
      pltpu.async_copy(tbl_hbm.at[xblk.at[l0 + 2]], rows0, sg0)

    pltpu.make_async_copy(tbl_hbm.at[xblk.at[l1]], rows1, sg1).wait()
    compute(l1, rows1)
    return 0

  lax.fori_loop(0, SEQ // 2, tbody, 0)
  pltpu.sync_copy(accv, out_hbm.at[pl.ds(base, BPW), :])


_sc_partial = functools.partial(
    pl.kernel,
    out_type=jax.ShapeDtypeStruct((BATCH, 32), jnp.float32),
    mesh=plsc.VectorSubcoreMesh(
        core_axis_name="c", subcore_axis_name="s",
        num_cores=NC, num_subcores=NS),
    compiler_params=pltpu.CompilerParams(use_tc_tiling_on_sc=False),
    scratch_types=[
        pltpu.VMEM((SEQ, 2, _NCHUNK, 2, 16), jnp.float32),
        pltpu.VMEM((SEQ, BPW), jnp.int32),
        pltpu.VMEM((BPW, PK), jnp.int32),
        pltpu.VMEM((BPW, PK), jnp.int32),
        pltpu.VMEM((BPW, 32), jnp.float32),
        pltpu.SemaphoreType.DMA,
        pltpu.SemaphoreType.DMA,
        pltpu.SemaphoreType.DMA,
        pltpu.SemaphoreType.DMA,
    ],
)(_sc_body)


def _tc_epilogue(b_ref, p_ref, o_ref):
  blk = p_ref[...]
  s0 = jnp.sum(blk[:, 0:16], axis=1) + b_ref[0]
  s1 = jnp.sum(blk[:, 16:32], axis=1) + b_ref[1]
  m = jnp.maximum(s0, s1)
  lse = m + jnp.log(jnp.exp(s0 - m) + jnp.exp(s1 - m))
  o_ref[...] = jnp.concatenate(
      [(s0 - lse)[:, None], (s1 - lse)[:, None]], axis=1)


@jax.jit
def kernel(x, table, W, b):
  x = x.astype(jnp.int32)
  xT = x.T

  tp = jnp.pad(table, ((0, 0), (0, EP - EMBED)))
  u = lax.bitcast_convert_type(tp, jnp.uint32)
  r = (u + jnp.uint32(0x7FFF) + ((u >> 16) & jnp.uint32(1))) >> 16
  tbl_pk = lax.bitcast_convert_type(
      (r[:, 0::2] | (r[:, 1::2] << 16)).astype(jnp.uint32), jnp.int32)

  w3 = W.reshape(SEQ, EMBED, 2).transpose(0, 2, 1)
  w128 = jnp.zeros((SEQ, 2, EP), jnp.float32).at[:, :, :EMBED].set(w3)
  wt5 = w128.reshape(SEQ, 2, _NCHUNK, 16, 2).transpose(0, 1, 2, 4, 3)

  partial = _sc_partial(xT, tbl_pk, wt5)

  blk = 512
  out = pl.pallas_call(
      _tc_epilogue,
      grid=(BATCH // blk,),
      in_specs=[
          pl.BlockSpec(memory_space=pltpu.SMEM),
          pl.BlockSpec((blk, 32), lambda i: (i, 0)),
      ],
      out_specs=pl.BlockSpec((blk, 2), lambda i: (i, 0)),
      out_shape=jax.ShapeDtypeStruct((BATCH, 2), jnp.float32),
  )(b, partial)
  return out

# --- scband reference (transcript-rebuilt; emitter-appended) ---
"""Pipeline reference for scband-imdbmodel-23742579212626 (READ-ONLY COPY).

The authoritative reference and input builder live on the scoring server;
editing this copy changes nothing except your own understanding.
"""

import jax, jax.numpy as jnp
import numpy as np

VOCAB = 100000
EMBED_DIM = 100
MAX_LEN = 260
BATCH = 4096
PAD = 0

def setup_inputs(seed: int = 0) -> dict:
    key = jax.random.key(seed)
    k1, k2, k3, k4 = jax.random.split(key, 4)
    x = jax.random.randint(k1, (BATCH, MAX_LEN), 0, VOCAB, dtype=jnp.int64 if jax.config.jax_enable_x64 else jnp.int32)
    table = jax.random.normal(k2, (VOCAB, EMBED_DIM), dtype=jnp.float32)
    table = table.at[PAD].set(0.0)  # padding_idx row initialized to zero as in nn.Embedding
    fan_in = MAX_LEN * EMBED_DIM
    bound = 1.0 / np.sqrt(fan_in)
    W = jax.random.uniform(k3, (fan_in, 2), minval=-bound, maxval=bound, dtype=jnp.float32)
    b = jax.random.uniform(k4, (2,), minval=-bound, maxval=bound, dtype=jnp.float32)
    return {"x": x, "table": table, "W": W, "b": b}

def reference(x, table, W, b):
    # embedding lookup with padding_idx=PAD (row forced to zero, matching init)
    tbl = table.at[PAD].set(0.0)
    embed = jnp.take(tbl, x, axis=0)          # [B, L, D]
    flat = embed.reshape(x.shape[0], -1)       # [B, L*D]
    out = flat @ W + b                          # [B, 2]
    return jax.nn.log_softmax(out, axis=-1)

if __name__ == "__main__":
    import jax
    _d = setup_inputs()
    print(jax.jit(kernel)(*tuple(_d.values())))

</pallas_src>

<mosaic_0001>
#map = affine_map<(d0, d1) -> (0, 0)>
#map1 = affine_map<(d0, d1) -> (0, 0, 0, 0, 0)>
module attributes {stable_mosaic.version = 14 : i64} {
  func.func @_sc_body(%arg0: i32, %arg1: i32, %arg2: memref<260x4096xi32, #tpu.memory_space<hbm>>, %arg3: memref<100000x64xi32, #tpu.memory_space<hbm>>, %arg4: memref<260x2x4x2x16xf32, #tpu.memory_space<hbm>>, %arg5: memref<4096x32xf32, #tpu.memory_space<hbm>>, %arg6: memref<260x2x4x2x16xf32, #tpu.memory_space<vmem>>, %arg7: memref<260x128xi32, #tpu.memory_space<vmem>>, %arg8: memref<128x64xi32, #tpu.memory_space<vmem>>, %arg9: memref<128x64xi32, #tpu.memory_space<vmem>>, %arg10: memref<128x32xf32, #tpu.memory_space<vmem>>, %arg11: memref<!tpu.dma_semaphore, #tpu.memory_space<semaphore_mem>>, %arg12: memref<!tpu.dma_semaphore, #tpu.memory_space<semaphore_mem>>, %arg13: memref<!tpu.dma_semaphore, #tpu.memory_space<semaphore_mem>>, %arg14: memref<!tpu.dma_semaphore, #tpu.memory_space<semaphore_mem>>) attributes {dimension_semantics = [#tpu.dimension_semantics<core_parallel>, #tpu.dimension_semantics<subcore_parallel>], iteration_bounds = array<i64: 2, 16>, scalar_prefetch = 0 : i64, scratch_operands = 9 : i64, tpu.core_type = #tpu.core_type<sc_vector_subcore>, window_params = [{transform_indices = #map}, {transform_indices = #map}, {transform_indices = #map1}, {transform_indices = #map}]} {
    %mul3A = arith.constant 2 : i32
    %mul3A_0 = arith.muli %arg1, %mul3A : i32
    %add3A = arith.addi %mul3A_0, %arg0 : i32
    %mul3A_1 = arith.constant 128 : i32
    %mul3A_2 = arith.muli %add3A, %mul3A_1 : i32
    tpu.enqueue_dma source(%arg4 : memref<260x2x4x2x16xf32, #tpu.memory_space<hbm>>) target(%arg6 : memref<260x2x4x2x16xf32, #tpu.memory_space<vmem>>) target_semaphore(%arg11 : memref<!tpu.dma_semaphore, #tpu.memory_space<semaphore_mem>>)
    %dma_start3A = arith.constant 0 : i32
    %dma_start3A_3 = tpu.memref_slice %arg2[%dma_start3A, %mul3A_2] : memref<260x4096xi32, #tpu.memory_space<hbm>> -> memref<260x128xi32, #tpu.memory_space<hbm>>
    %dma_start3A_4 = arith.constant 0 : i32
    %dma_start3A_5 = tpu.memref_slice %arg2[%dma_start3A_4, %mul3A_2] : memref<260x4096xi32, #tpu.memory_space<hbm>> -> memref<260x128xi32, #tpu.memory_space<hbm>>
    tpu.enqueue_dma source(%dma_start3A_5 : memref<260x128xi32, #tpu.memory_space<hbm>>) target(%arg7 : memref<260x128xi32, #tpu.memory_space<vmem>>) target_semaphore(%arg12 : memref<!tpu.dma_semaphore, #tpu.memory_space<semaphore_mem>>)
    %broadcast_in_dim3A = arith.constant 0.000000e+00 : f32
    %broadcast_in_dim3A_6 = vector.broadcast %broadcast_in_dim3A : f32 to vector<16xf32>
    %broadcast_in_dim3A_7 = arith.constant 16 : i32
    %broadcast_in_dim3A_8 = vector.broadcast %broadcast_in_dim3A_7 : i32 to vector<16xi32>
    %broadcast_in_dim3A_9 = arith.constant -65536 : i32
    %broadcast_in_dim3A_10 = vector.broadcast %broadcast_in_dim3A_9 : i32 to vector<16xi32>
    %scan3A = arith.constant 0 : i32
    %scan3A_11 = arith.constant 0 : i32
    %scan3A_12 = arith.constant 128 : i32
    %scan3A_13 = arith.addi %scan3A_11, %scan3A_12 : i32
    %scan3A_14 = arith.constant 1 : i32
    %scan3A_15 = scf.for %scan3A_34 = %scan3A_11 to %scan3A_13 step %scan3A_14 iter_args(%scan3A_35 = %scan3A) -> (i32)  : i32 {
      %swap3A = arith.index_cast %scan3A_34 : i32 to index
      %swap3A_36 = arith.constant 0 : index
      %swap3A_37 = tpu.vector_load %arg10[%swap3A, %swap3A_36] {strides = array<i32>} : memref<128x32xf32, #tpu.memory_space<vmem>>, vector<1x16xf32>,
      %swap3A_38 = vector.shape_cast %swap3A_37 : vector<1x16xf32> to vector<16xf32>
      %swap3A_39 = vector.shape_cast %broadcast_in_dim3A_6 : vector<16xf32> to vector<1x16xf32>
      tpu.vector_store %arg10[%swap3A, %swap3A_36], %swap3A_39 {strides = array<i32>} : memref<128x32xf32, #tpu.memory_space<vmem>>, vector<1x16xf32>,
      %swap3A_40 = arith.index_cast %scan3A_34 : i32 to index
      %swap3A_41 = arith.constant 16 : index
      %swap3A_42 = tpu.vector_load %arg10[%swap3A_40, %swap3A_41] {strides = array<i32>} : memref<128x32xf32, #tpu.memory_space<vmem>>, vector<1x16xf32>,
      %swap3A_43 = vector.shape_cast %swap3A_42 : vector<1x16xf32> to vector<16xf32>
      %swap3A_44 = vector.shape_cast %broadcast_in_dim3A_6 : vector<16xf32> to vector<1x16xf32>
      tpu.vector_store %arg10[%swap3A_40, %swap3A_41], %swap3A_44 {strides = array<i32>} : memref<128x32xf32, #tpu.memory_space<vmem>>, vector<1x16xf32>,
      %scan3A_45 = arith.constant 0 : i32
      scf.yield %scan3A_45 : i32
    }
    %scan3A_16 = arith.constant 128 : i32
    %dma_wait3A = arith.constant 0 : i32
    %dma_wait3A_17 = tpu.memref_slice %arg2[%dma_wait3A, %mul3A_2] : memref<260x4096xi32, #tpu.memory_space<hbm>> -> memref<260x128xi32, #tpu.memory_space<hbm>>
    %dma_wait3A_18 = arith.constant 0 : i32
    %dma_wait3A_19 = tpu.memref_slice %arg2[%dma_wait3A_18, %mul3A_2] : memref<260x4096xi32, #tpu.memory_space<hbm>> -> memref<260x128xi32, #tpu.memory_space<hbm>>
    tpu.wait_dma2 semaphore(%arg12 : memref<!tpu.dma_semaphore, #tpu.memory_space<semaphore_mem>>) src(%dma_wait3A_19 : memref<260x128xi32, #tpu.memory_space<hbm>>) dst(%arg7 : memref<260x128xi32, #tpu.memory_space<vmem>>)
    %dma_start3A_20 = arith.constant 0 : i32
    %dma_start3A_21 = arith.constant 0 : i32
    %dma_start3A_22 = tpu.memref_slice %arg7[%dma_start3A_20, %dma_start3A_21] : memref<260x128xi32, #tpu.memory_space<vmem>> -> memref<1x128xi32, #tpu.memory_space<vmem>>
    %dma_start3A_23 = tpu.memref_squeeze %dma_start3A_22 : memref<1x128xi32, #tpu.memory_space<vmem>> -> memref<128xi32, #tpu.memory_space<vmem>>
    %dma_start3A_24 = arith.constant 0 : i32
    %dma_start3A_25 = arith.constant 0 : i32
    %dma_start3A_26 = tpu.memref_slice %arg3[%dma_start3A_24, %dma_start3A_25] : memref<100000x64xi32, #tpu.memory_space<hbm>> -> memref<100000x64xi32, #tpu.memory_space<hbm>>
    tpu.enqueue_indirect_dma source(%dma_start3A_26 : memref<100000x64xi32, #tpu.memory_space<hbm>>) target(%arg8 : memref<128x64xi32, #tpu.memory_space<vmem>>) offsets(%dma_start3A_23 : memref<128xi32, #tpu.memory_space<vmem>>) semaphore(%arg13 : memref<!tpu.dma_semaphore, #tpu.memory_space<semaphore_mem>>)
    tpu.wait_dma2 semaphore(%arg11 : memref<!tpu.dma_semaphore, #tpu.memory_space<semaphore_mem>>) src(%arg4 : memref<260x2x4x2x16xf32, #tpu.memory_space<hbm>>) dst(%arg6 : memref<260x2x4x2x16xf32, #tpu.memory_space<vmem>>)
    %scan3A_27 = arith.constant 0 : i32
    %scan3A_28 = arith.constant 0 : i32
    %scan3A_29 = arith.constant 130 : i32
    %scan3A_30 = arith.addi %scan3A_28, %scan3A_29 : i32
    %scan3A_31 = arith.constant 1 : i32
    %scan3A_32 = scf.for %scan3A_34 = %scan3A_28 to %scan3A_30 step %scan3A_31 iter_args(%scan3A_35 = %scan3A_27) -> (i32)  : i32 {
      %mul3A_36 = arith.constant 2 : i32
      %mul3A_37 = arith.muli %mul3A_36, %scan3A_34 : i32
      %add3A_38 = arith.constant 1 : i32
      %add3A_39 = arith.addi %mul3A_37, %add3A_38 : i32
      %dma_start3A_40 = arith.constant 0 : i32
      %dma_start3A_41 = tpu.memref_slice %arg7[%add3A_39, %dma_start3A_40] : memref<260x128xi32, #tpu.memory_space<vmem>> -> memref<1x128xi32, #tpu.memory_space<vmem>>
      %dma_start3A_42 = tpu.memref_squeeze %dma_start3A_41 : memref<1x128xi32, #tpu.memory_space<vmem>> -> memref<128xi32, #tpu.memory_space<vmem>>
      %dma_start3A_43 = arith.constant 0 : i32
      %dma_start3A_44 = arith.constant 0 : i32
      %dma_start3A_45 = tpu.memref_slice %arg3[%dma_start3A_43, %dma_start3A_44] : memref<100000x64xi32, #tpu.memory_space<hbm>> -> memref<100000x64xi32, #tpu.memory_space<hbm>>
      tpu.enqueue_indirect_dma source(%dma_start3A_45 : memref<100000x64xi32, #tpu.memory_space<hbm>>) target(%arg9 : memref<128x64xi32, #tpu.memory_space<vmem>>) offsets(%dma_start3A_42 : memref<128xi32, #tpu.memory_space<vmem>>) semaphore(%arg14 : memref<!tpu.dma_semaphore, #tpu.memory_space<semaphore_mem>>)
      %dma_wait3A_46 = arith.constant 0 : i32
      %dma_wait3A_47 = tpu.memref_slice %arg7[%mul3A_37, %dma_wait3A_46] : memref<260x128xi32, #tpu.memory_space<vmem>> -> memref<1x128xi32, #tpu.memory_space<vmem>>
      %dma_wait3A_48 = tpu.memref_squeeze %dma_wait3A_47 : memref<1x128xi32, #tpu.memory_space<vmem>> -> memref<128xi32, #tpu.memory_space<vmem>>
      %dma_wait3A_49 = arith.constant 0 : i32
      %dma_wait3A_50 = arith.constant 0 : i32
      %dma_wait3A_51 = tpu.memref_slice %arg3[%dma_wait3A_49, %dma_wait3A_50] : memref<100000x64xi32, #tpu.memory_space<hbm>> -> memref<100000x64xi32, #tpu.memory_space<hbm>>
      tpu.wait_indirect_dma semaphore(%arg13 : memref<!tpu.dma_semaphore, #tpu.memory_space<semaphore_mem>>) src(%dma_wait3A_51 : memref<100000x64xi32, #tpu.memory_space<hbm>>) dst(%arg8 : memref<128x64xi32, #tpu.memory_space<vmem>>)
      %get3A = arith.constant 0 : i32
      %get3A_52 = arith.constant 0 : i32
      %get3A_53 = arith.constant 0 : i32
      %get3A_54 = arith.index_cast %mul3A_37 : i32 to index
      %get3A_55 = arith.index_cast %get3A : i32 to index
      %get3A_56 = arith.index_cast %get3A_52 : i32 to index
      %get3A_57 = arith.index_cast %get3A_53 : i32 to index
      %get3A_58 = arith.constant 0 : index
      %get3A_59 = tpu.vector_load %arg6[%get3A_54, %get3A_55, %get3A_56, %get3A_57, %get3A_58] {strides = array<i32>} : memref<260x2x4x2x16xf32, #tpu.memory_space<vmem>>, vector<1x1x1x1x16xf32>,
      %get3A_60 = vector.shape_cast %get3A_59 : vector<1x1x1x1x16xf32> to vector<16xf32>
      %get3A_61 = arith.constant 0 : i32
      %get3A_62 = arith.constant 0 : i32
      %get3A_63 = arith.constant 1 : i32
      %get3A_64 = arith.index_cast %mul3A_37 : i32 to index
      %get3A_65 = arith.index_cast %get3A_61 : i32 to index
      %get3A_66 = arith.index_cast %get3A_62 : i32 to index
      %get3A_67 = arith.index_cast %get3A_63 : i32 to index
      %get3A_68 = arith.constant 0 : index
      %get3A_69 = tpu.vector_load %arg6[%get3A_64, %get3A_65, %get3A_66, %get3A_67, %get3A_68] {strides = array<i32>} : memref<260x2x4x2x16xf32, #tpu.memory_space<vmem>>, vector<1x1x1x1x16xf32>,
      %get3A_70 = vector.shape_cast %get3A_69 : vector<1x1x1x1x16xf32> to vector<16xf32>
      %get3A_71 = arith.constant 0 : i32
      %get3A_72 = arith.constant 1 : i32
      %get3A_73 = arith.constant 0 : i32
      %get3A_74 = arith.index_cast %mul3A_37 : i32 to index
      %get3A_75 = arith.index_cast %get3A_71 : i32 to index
      %get3A_76 = arith.index_cast %get3A_72 : i32 to index
      %get3A_77 = arith.index_cast %get3A_73 : i32 to index
      %get3A_78 = arith.constant 0 : index
      %get3A_79 = tpu.vector_load %arg6[%get3A_74, %get3A_75, %get3A_76, %get3A_77, %get3A_78] {strides = array<i32>} : memref<260x2x4x2x16xf32, #tpu.memory_space<vmem>>, vector<1x1x1x1x16xf32>,
      %get3A_80 = vector.shape_cast %get3A_79 : vector<1x1x1x1x16xf32> to vector<16xf32>
      %get3A_81 = arith.constant 0 : i32
      %get3A_82 = arith.constant 1 : i32
      %get3A_83 = arith.constant 1 : i32
      %get3A_84 = arith.index_cast %mul3A_37 : i32 to index
      %get3A_85 = arith.index_cast %get3A_81 : i32 to index
      %get3A_86 = arith.index_cast %get3A_82 : i32 to index
      %get3A_87 = arith.index_cast %get3A_83 : i32 to index
      %get3A_88 = arith.constant 0 : index
      %get3A_89 = tpu.vector_load %arg6[%get3A_84, %get3A_85, %get3A_86, %get3A_87, %get3A_88] {strides = array<i32>} : memref<260x2x4x2x16xf32, #tpu.memory_space<vmem>>, vector<1x1x1x1x16xf32>,
      %get3A_90 = vector.shape_cast %get3A_89 : vector<1x1x1x1x16xf32> to vector<16xf32>
      %get3A_91 = arith.constant 0 : i32
      %get3A_92 = arith.constant 2 : i32
      %get3A_93 = arith.constant 0 : i32
      %get3A_94 = arith.index_cast %mul3A_37 : i32 to index
      %get3A_95 = arith.index_cast %get3A_91 : i32 to index
      %get3A_96 = arith.index_cast %get3A_92 : i32 to index
      %get3A_97 = arith.index_cast %get3A_93 : i32 to index
      %get3A_98 = arith.constant 0 : index
      %get3A_99 = tpu.vector_load %arg6[%get3A_94, %get3A_95, %get3A_96, %get3A_97, %get3A_98] {strides = array<i32>} : memref<260x2x4x2x16xf32, #tpu.memory_space<vmem>>, vector<1x1x1x1x16xf32>,
      %get3A_100 = vector.shape_cast %get3A_99 : vector<1x1x1x1x16xf32> to vector<16xf32>
      %get3A_101 = arith.constant 0 : i32
      %get3A_102 = arith.constant 2 : i32
      %get3A_103 = arith.constant 1 : i32
      %get3A_104 = arith.index_cast %mul3A_37 : i32 to index
      %get3A_105 = arith.index_cast %get3A_101 : i32 to index
      %get3A_106 = arith.index_cast %get3A_102 : i32 to index
      %get3A_107 = arith.index_cast %get3A_103 : i32 to index
      %get3A_108 = arith.constant 0 : index
      %get3A_109 = tpu.vector_load %arg6[%get3A_104, %get3A_105, %get3A_106, %get3A_107, %get3A_108] {strides = array<i32>} : memref<260x2x4x2x16xf32, #tpu.memory_space<vmem>>, vector<1x1x1x1x16xf32>,
      %get3A_110 = vector.shape_cast %get3A_109 : vector<1x1x1x1x16xf32> to vector<16xf32>
      %get3A_111 = arith.constant 0 : i32
      %get3A_112 = arith.constant 3 : i32
      %get3A_113 = arith.constant 0 : i32
      %get3A_114 = arith.index_cast %mul3A_37 : i32 to index
      %get3A_115 = arith.index_cast %get3A_111 : i32 to index
      %get3A_116 = arith.index_cast %get3A_112 : i32 to index
      %get3A_117 = arith.index_cast %get3A_113 : i32 to index
      %get3A_118 = arith.constant 0 : index
      %get3A_119 = tpu.vector_load %arg6[%get3A_114, %get3A_115, %get3A_116, %get3A_117, %get3A_118] {strides = array<i32>} : memref<260x2x4x2x16xf32, #tpu.memory_space<vmem>>, vector<1x1x1x1x16xf32>,
      %get3A_120 = vector.shape_cast %get3A_119 : vector<1x1x1x1x16xf32> to vector<16xf32>
      %get3A_121 = arith.constant 0 : i32
      %get3A_122 = arith.constant 3 : i32
      %get3A_123 = arith.constant 1 : i32
      %get3A_124 = arith.index_cast %mul3A_37 : i32 to index
      %get3A_125 = arith.index_cast %get3A_121 : i32 to index
      %get3A_126 = arith.index_cast %get3A_122 : i32 to index
      %get3A_127 = arith.index_cast %get3A_123 : i32 to index
      %get3A_128 = arith.constant 0 : index
      %get3A_129 = tpu.vector_load %arg6[%get3A_124, %get3A_125, %get3A_126, %get3A_127, %get3A_128] {strides = array<i32>} : memref<260x2x4x2x16xf32, #tpu.memory_space<vmem>>, vector<1x1x1x1x16xf32>,
      %get3A_130 = vector.shape_cast %get3A_129 : vector<1x1x1x1x16xf32> to vector<16xf32>
      %get3A_131 = arith.constant 1 : i32
      %get3A_132 = arith.constant 0 : i32
      %get3A_133 = arith.constant 0 : i32
      %get3A_134 = arith.index_cast %mul3A_37 : i32 to index
      %get3A_135 = arith.index_cast %get3A_131 : i32 to index
      %get3A_136 = arith.index_cast %get3A_132 : i32 to index
      %get3A_137 = arith.index_cast %get3A_133 : i32 to index
      %get3A_138 = arith.constant 0 : index
      %get3A_139 = tpu.vector_load %arg6[%get3A_134, %get3A_135, %get3A_136, %get3A_137, %get3A_138] {strides = array<i32>} : memref<260x2x4x2x16xf32, #tpu.memory_space<vmem>>, vector<1x1x1x1x16xf32>,
      %get3A_140 = vector.shape_cast %get3A_139 : vector<1x1x1x1x16xf32> to vector<16xf32>
      %get3A_141 = arith.constant 1 : i32
      %get3A_142 = arith.constant 0 : i32
      %get3A_143 = arith.constant 1 : i32
      %get3A_144 = arith.index_cast %mul3A_37 : i32 to index
      %get3A_145 = arith.index_cast %get3A_141 : i32 to index
      %get3A_146 = arith.index_cast %get3A_142 : i32 to index
      %get3A_147 = arith.index_cast %get3A_143 : i32 to index
      %get3A_148 = arith.constant 0 : index
      %get3A_149 = tpu.vector_load %arg6[%get3A_144, %get3A_145, %get3A_146, %get3A_147, %get3A_148] {strides = array<i32>} : memref<260x2x4x2x16xf32, #tpu.memory_space<vmem>>, vector<1x1x1x1x16xf32>,
      %get3A_150 = vector.shape_cast %get3A_149 : vector<1x1x1x1x16xf32> to vector<16xf32>
      %get3A_151 = arith.constant 1 : i32
      %get3A_152 = arith.constant 1 : i32
      %get3A_153 = arith.constant 0 : i32
      %get3A_154 = arith.index_cast %mul3A_37 : i32 to index
      %get3A_155 = arith.index_cast %get3A_151 : i32 to index
      %get3A_156 = arith.index_cast %get3A_152 : i32 to index
      %get3A_157 = arith.index_cast %get3A_153 : i32 to index
      %get3A_158 = arith.constant 0 : index
      %get3A_159 = tpu.vector_load %arg6[%get3A_154, %get3A_155, %get3A_156, %get3A_157, %get3A_158] {strides = array<i32>} : memref<260x2x4x2x16xf32, #tpu.memory_space<vmem>>, vector<1x1x1x1x16xf32>,
      %get3A_160 = vector.shape_cast %get3A_159 : vector<1x1x1x1x16xf32> to vector<16xf32>
      %get3A_161 = arith.constant 1 : i32
      %get3A_162 = arith.constant 1 : i32
      %get3A_163 = arith.constant 1 : i32
      %get3A_164 = arith.index_cast %mul3A_37 : i32 to index
      %get3A_165 = arith.index_cast %get3A_161 : i32 to index
      %get3A_166 = arith.index_cast %get3A_162 : i32 to index
      %get3A_167 = arith.index_cast %get3A_163 : i32 to index
      %get3A_168 = arith.constant 0 : index
      %get3A_169 = tpu.vector_load %arg6[%get3A_164, %get3A_165, %get3A_166, %get3A_167, %get3A_168] {strides = array<i32>} : memref<260x2x4x2x16xf32, #tpu.memory_space<vmem>>, vector<1x1x1x1x16xf32>,
      %get3A_170 = vector.shape_cast %get3A_169 : vector<1x1x1x1x16xf32> to vector<16xf32>
      %get3A_171 = arith.constant 1 : i32
      %get3A_172 = arith.constant 2 : i32
      %get3A_173 = arith.constant 0 : i32
      %get3A_174 = arith.index_cast %mul3A_37 : i32 to index
      %get3A_175 = arith.index_cast %get3A_171 : i32 to index
      %get3A_176 = arith.index_cast %get3A_172 : i32 to index
      %get3A_177 = arith.index_cast %get3A_173 : i32 to index
      %get3A_178 = arith.constant 0 : index
      %get3A_179 = tpu.vector_load %arg6[%get3A_174, %get3A_175, %get3A_176, %get3A_177, %get3A_178] {strides = array<i32>} : memref<260x2x4x2x16xf32, #tpu.memory_space<vmem>>, vector<1x1x1x1x16xf32>,
      %get3A_180 = vector.shape_cast %get3A_179 : vector<1x1x1x1x16xf32> to vector<16xf32>
      %get3A_181 = arith.constant 1 : i32
      %get3A_182 = arith.constant 2 : i32
      %get3A_183 = arith.constant 1 : i32
      %get3A_184 = arith.index_cast %mul3A_37 : i32 to index
      %get3A_185 = arith.index_cast %get3A_181 : i32 to index
      %get3A_186 = arith.index_cast %get3A_182 : i32 to index
      %get3A_187 = arith.index_cast %get3A_183 : i32 to index
      %get3A_188 = arith.constant 0 : index
      %get3A_189 = tpu.vector_load %arg6[%get3A_184, %get3A_185, %get3A_186, %get3A_187, %get3A_188] {strides = array<i32>} : memref<260x2x4x2x16xf32, #tpu.memory_space<vmem>>, vector<1x1x1x1x16xf32>,
      %get3A_190 = vector.shape_cast %get3A_189 : vector<1x1x1x1x16xf32> to vector<16xf32>
      %get3A_191 = arith.constant 1 : i32
      %get3A_192 = arith.constant 3 : i32
      %get3A_193 = arith.constant 0 : i32
      %get3A_194 = arith.index_cast %mul3A_37 : i32 to index
      %get3A_195 = arith.index_cast %get3A_191 : i32 to index
      %get3A_196 = arith.index_cast %get3A_192 : i32 to index
      %get3A_197 = arith.index_cast %get3A_193 : i32 to index
      %get3A_198 = arith.constant 0 : index
      %get3A_199 = tpu.vector_load %arg6[%get3A_194, %get3A_195, %get3A_196, %get3A_197, %get3A_198] {strides = array<i32>} : memref<260x2x4x2x16xf32, #tpu.memory_space<vmem>>, vector<1x1x1x1x16xf32>,
      %get3A_200 = vector.shape_cast %get3A_199 : vector<1x1x1x1x16xf32> to vector<16xf32>
      %get3A_201 = arith.constant 1 : i32
      %get3A_202 = arith.constant 3 : i32
      %get3A_203 = arith.constant 1 : i32
      %get3A_204 = arith.index_cast %mul3A_37 : i32 to index
      %get3A_205 = arith.index_cast %get3A_201 : i32 to index
      %get3A_206 = arith.index_cast %get3A_202 : i32 to index
      %get3A_207 = arith.index_cast %get3A_203 : i32 to index
      %get3A_208 = arith.constant 0 : index
      %get3A_209 = tpu.vector_load %arg6[%get3A_204, %get3A_205, %get3A_206, %get3A_207, %get3A_208] {strides = array<i32>} : memref<260x2x4x2x16xf32, #tpu.memory_space<vmem>>, vector<1x1x1x1x16xf32>,
      %get3A_210 = vector.shape_cast %get3A_209 : vector<1x1x1x1x16xf32> to vector<16xf32>
      %scan3A_211 = arith.constant 0 : i32
      %scan3A_212 = arith.constant 0 : i32
      %scan3A_213 = arith.constant 128 : i32
      %scan3A_214 = arith.addi %scan3A_212, %scan3A_213 : i32
      %scan3A_215 = arith.constant 4 : i32
      %scan3A_216 = scf.for %scan3A_394 = %scan3A_212 to %scan3A_214 step %scan3A_215 iter_args(%scan3A_395 = %scan3A_211) -> (i32)  : i32 {
        %get3A_396 = arith.index_cast %scan3A_394 : i32 to index
        %get3A_397 = arith.constant 0 : index
        %get3A_398 = tpu.vector_load %arg10[%get3A_396, %get3A_397] {strides = array<i32>} : memref<128x32xf32, #tpu.memory_space<vmem>>, vector<1x16xf32>,
        %get3A_399 = vector.shape_cast %get3A_398 : vector<1x16xf32> to vector<16xf32>
        %get3A_400 = arith.index_cast %scan3A_394 : i32 to index
        %get3A_401 = arith.constant 16 : index
        %get3A_402 = tpu.vector_load %arg10[%get3A_400, %get3A_401] {strides = array<i32>} : memref<128x32xf32, #tpu.memory_space<vmem>>, vector<1x16xf32>,
        %get3A_403 = vector.shape_cast %get3A_402 : vector<1x16xf32> to vector<16xf32>
        %get3A_404 = arith.index_cast %scan3A_394 : i32 to index
        %get3A_405 = arith.constant 0 : index
        %get3A_406 = tpu.vector_load %arg8[%get3A_404, %get3A_405] {strides = array<i32>} : memref<128x64xi32, #tpu.memory_space<vmem>>, vector<1x16xi32>,
        %get3A_407 = vector.shape_cast %get3A_406 : vector<1x16xi32> to vector<16xi32>
        %shift_left3A = arith.shli %get3A_407, %broadcast_in_dim3A_8 : vector<16xi32>
        %bitcast_convert_type3A = tpu.bitcast %shift_left3A : vector<16xi32> -> vector<16xf32>
        %and3A = arith.andi %get3A_407, %broadcast_in_dim3A_10 : vector<16xi32>
        %bitcast_convert_type3A_408 = tpu.bitcast %and3A : vector<16xi32> -> vector<16xf32>
        %mul3A_409 = arith.mulf %bitcast_convert_type3A, %get3A_60 : vector<16xf32>
        %add3A_410 = arith.addf %get3A_399, %mul3A_409 : vector<16xf32>
        %mul3A_411 = arith.mulf %bitcast_convert_type3A_408, %get3A_70 : vector<16xf32>
        %add3A_412 = arith.addf %add3A_410, %mul3A_411 : vector<16xf32>
        %mul3A_413 = arith.mulf %bitcast_convert_type3A, %get3A_140 : vector<16xf32>
        %add3A_414 = arith.addf %get3A_403, %mul3A_413 : vector<16xf32>
        %mul3A_415 = arith.mulf %bitcast_convert_type3A_408, %get3A_150 : vector<16xf32>
        %add3A_416 = arith.addf %add3A_414, %mul3A_415 : vector<16xf32>
        %get3A_417 = arith.index_cast %scan3A_394 : i32 to index
        %get3A_418 = arith.constant 16 : index
        %get3A_419 = tpu.vector_load %arg8[%get3A_417, %get3A_418] {strides = array<i32>} : memref<128x64xi32, #tpu.memory_space<vmem>>, vector<1x16xi32>,
        %get3A_420 = vector.shape_cast %get3A_419 : vector<1x16xi32> to vector<16xi32>
        %shift_left3A_421 = arith.shli %get3A_420, %broadcast_in_dim3A_8 : vector<16xi32>
        %bitcast_convert_type3A_422 = tpu.bitcast %shift_left3A_421 : vector<16xi32> -> vector<16xf32>
        %and3A_423 = arith.andi %get3A_420, %broadcast_in_dim3A_10 : vector<16xi32>
        %bitcast_convert_type3A_424 = tpu.bitcast %and3A_423 : vector<16xi32> -> vector<16xf32>
        %mul3A_425 = arith.mulf %bitcast_convert_type3A_422, %get3A_80 : vector<16xf32>
        %add3A_426 = arith.addf %add3A_412, %mul3A_425 : vector<16xf32>
        %mul3A_427 = arith.mulf %bitcast_convert_type3A_424, %get3A_90 : vector<16xf32>
        %add3A_428 = arith.addf %add3A_426, %mul3A_427 : vector<16xf32>
        %mul3A_429 = arith.mulf %bitcast_convert_type3A_422, %get3A_160 : vector<16xf32>
        %add3A_430 = arith.addf %add3A_416, %mul3A_429 : vector<16xf32>
        %mul3A_431 = arith.mulf %bitcast_convert_type3A_424, %get3A_170 : vector<16xf32>
        %add3A_432 = arith.addf %add3A_430, %mul3A_431 : vector<16xf32>
        %get3A_433 = arith.index_cast %scan3A_394 : i32 to index
        %get3A_434 = arith.constant 32 : index
        %get3A_435 = tpu.vector_load %arg8[%get3A_433, %get3A_434] {strides = array<i32>} : memref<128x64xi32, #tpu.memory_space<vmem>>, vector<1x16xi32>,
        %get3A_436 = vector.shape_cast %get3A_435 : vector<1x16xi32> to vector<16xi32>
        %shift_left3A_437 = arith.shli %get3A_436, %broadcast_in_dim3A_8 : vector<16xi32>
        %bitcast_convert_type3A_438 = tpu.bitcast %shift_left3A_437 : vector<16xi32> -> vector<16xf32>
        %and3A_439 = arith.andi %get3A_436, %broadcast_in_dim3A_10 : vector<16xi32>
        %bitcast_convert_type3A_440 = tpu.bitcast %and3A_439 : vector<16xi32> -> vector<16xf32>
        %mul3A_441 = arith.mulf %bitcast_convert_type3A_438, %get3A_100 : vector<16xf32>
        %add3A_442 = arith.addf %add3A_428, %mul3A_441 : vector<16xf32>
        %mul3A_443 = arith.mulf %bitcast_convert_type3A_440, %get3A_110 : vector<16xf32>
        %add3A_444 = arith.addf %add3A_442, %mul3A_443 : vector<16xf32>
        %mul3A_445 = arith.mulf %bitcast_convert_type3A_438, %get3A_180 : vector<16xf32>
        %add3A_446 = arith.addf %add3A_432, %mul3A_445 : vector<16xf32>
        %mul3A_447 = arith.mulf %bitcast_convert_type3A_440, %get3A_190 : vector<16xf32>
        %add3A_448 = arith.addf %add3A_446, %mul3A_447 : vector<16xf32>
        %get3A_449 = arith.index_cast %scan3A_394 : i32 to index
        %get3A_450 = arith.constant 48 : index
        %get3A_451 = tpu.vector_load %arg8[%get3A_449, %get3A_450] {strides = array<i32>} : memref<128x64xi32, #tpu.memory_space<vmem>>, vector<1x16xi32>,
        %get3A_452 = vector.shape_cast %get3A_451 : vector<1x16xi32> to vector<16xi32>
        %shift_left3A_453 = arith.shli %get3A_452, %broadcast_in_dim3A_8 : vector<16xi32>
        %bitcast_convert_type3A_454 = tpu.bitcast %shift_left3A_453 : vector<16xi32> -> vector<16xf32>
        %and3A_455 = arith.andi %get3A_452, %broadcast_in_dim3A_10 : vector<16xi32>
        %bitcast_convert_type3A_456 = tpu.bitcast %and3A_455 : vector<16xi32> -> vector<16xf32>
        %mul3A_457 = arith.mulf %bitcast_convert_type3A_454, %get3A_120 : vector<16xf32>
        %add3A_458 = arith.addf %add3A_444, %mul3A_457 : vector<16xf32>
        %mul3A_459 = arith.mulf %bitcast_convert_type3A_456, %get3A_130 : vector<16xf32>
        %add3A_460 = arith.addf %add3A_458, %mul3A_459 : vector<16xf32>
        %mul3A_461 = arith.mulf %bitcast_convert_type3A_454, %get3A_200 : vector<16xf32>
        %add3A_462 = arith.addf %add3A_448, %mul3A_461 : vector<16xf32>
        %mul3A_463 = arith.mulf %bitcast_convert_type3A_456, %get3A_210 : vector<16xf32>
        %add3A_464 = arith.addf %add3A_462, %mul3A_463 : vector<16xf32>
        %swap3A = arith.index_cast %scan3A_394 : i32 to index
        %swap3A_465 = arith.constant 0 : index
        %swap3A_466 = tpu.vector_load %arg10[%swap3A, %swap3A_465] {strides = array<i32>} : memref<128x32xf32, #tpu.memory_space<vmem>>, vector<1x16xf32>,
        %swap3A_467 = vector.shape_cast %swap3A_466 : vector<1x16xf32> to vector<16xf32>
        %swap3A_468 = vector.shape_cast %add3A_460 : vector<16xf32> to vector<1x16xf32>
        tpu.vector_store %arg10[%swap3A, %swap3A_465], %swap3A_468 {strides = array<i32>} : memref<128x32xf32, #tpu.memory_space<vmem>>, vector<1x16xf32>,
        %swap3A_469 = arith.index_cast %scan3A_394 : i32 to index
        %swap3A_470 = arith.constant 16 : index
        %swap3A_471 = tpu.vector_load %arg10[%swap3A_469, %swap3A_470] {strides = array<i32>} : memref<128x32xf32, #tpu.memory_space<vmem>>, vector<1x16xf32>,
        %swap3A_472 = vector.shape_cast %swap3A_471 : vector<1x16xf32> to vector<16xf32>
        %swap3A_473 = vector.shape_cast %add3A_464 : vector<16xf32> to vector<1x16xf32>
        tpu.vector_store %arg10[%swap3A_469, %swap3A_470], %swap3A_473 {strides = array<i32>} : memref<128x32xf32, #tpu.memory_space<vmem>>, vector<1x16xf32>,
        %scan3A_474 = arith.constant 0 : i32
        %scan3A_475 = arith.constant 1 : i32
        %scan3A_476 = arith.addi %scan3A_394, %scan3A_475 : i32
        %get3A_477 = arith.index_cast %scan3A_476 : i32 to index
        %get3A_478 = arith.constant 0 : index
        %get3A_479 = tpu.vector_load %arg10[%get3A_477, %get3A_478] {strides = array<i32>} : memref<128x32xf32, #tpu.memory_space<vmem>>, vector<1x16xf32>,
        %get3A_480 = vector.shape_cast %get3A_479 : vector<1x16xf32> to vector<16xf32>
        %get3A_481 = arith.index_cast %scan3A_476 : i32 to index
        %get3A_482 = arith.constant 16 : index
        %get3A_483 = tpu.vector_load %arg10[%get3A_481, %get3A_482] {strides = array<i32>} : memref<128x32xf32, #tpu.memory_space<vmem>>, vector<1x16xf32>,
        %get3A_484 = vector.shape_cast %get3A_483 : vector<1x16xf32> to vector<16xf32>
        %get3A_485 = arith.index_cast %scan3A_476 : i32 to index
        %get3A_486 = arith.constant 0 : index
        %get3A_487 = tpu.vector_load %arg8[%get3A_485, %get3A_486] {strides = array<i32>} : memref<128x64xi32, #tpu.memory_space<vmem>>, vector<1x16xi32>,
        %get3A_488 = vector.shape_cast %get3A_487 : vector<1x16xi32> to vector<16xi32>
        %shift_left3A_489 = arith.shli %get3A_488, %broadcast_in_dim3A_8 : vector<16xi32>
        %bitcast_convert_type3A_490 = tpu.bitcast %shift_left3A_489 : vector<16xi32> -> vector<16xf32>
        %and3A_491 = arith.andi %get3A_488, %broadcast_in_dim3A_10 : vector<16xi32>
        %bitcast_convert_type3A_492 = tpu.bitcast %and3A_491 : vector<16xi32> -> vector<16xf32>
        %mul3A_493 = arith.mulf %bitcast_convert_type3A_490, %get3A_60 : vector<16xf32>
        %add3A_494 = arith.addf %get3A_480, %mul3A_493 : vector<16xf32>
        %mul3A_495 = arith.mulf %bitcast_convert_type3A_492, %get3A_70 : vector<16xf32>
        %add3A_496 = arith.addf %add3A_494, %mul3A_495 : vector<16xf32>
        %mul3A_497 = arith.mulf %bitcast_convert_type3A_490, %get3A_140 : vector<16xf32>
        %add3A_498 = arith.addf %get3A_484, %mul3A_497 : vector<16xf32>
        %mul3A_499 = arith.mulf %bitcast_convert_type3A_492, %get3A_150 : vector<16xf32>
        %add3A_500 = arith.addf %add3A_498, %mul3A_499 : vector<16xf32>
        %get3A_501 = arith.index_cast %scan3A_476 : i32 to index
        %get3A_502 = arith.constant 16 : index
        %get3A_503 = tpu.vector_load %arg8[%get3A_501, %get3A_502] {strides = array<i32>} : memref<128x64xi32, #tpu.memory_space<vmem>>, vector<1x16xi32>,
        %get3A_504 = vector.shape_cast %get3A_503 : vector<1x16xi32> to vector<16xi32>
        %shift_left3A_505 = arith.shli %get3A_504, %broadcast_in_dim3A_8 : vector<16xi32>
        %bitcast_convert_type3A_506 = tpu.bitcast %shift_left3A_505 : vector<16xi32> -> vector<16xf32>
        %and3A_507 = arith.andi %get3A_504, %broadcast_in_dim3A_10 : vector<16xi32>
        %bitcast_convert_type3A_508 = tpu.bitcast %and3A_507 : vector<16xi32> -> vector<16xf32>
        %mul3A_509 = arith.mulf %bitcast_convert_type3A_506, %get3A_80 : vector<16xf32>
        %add3A_510 = arith.addf %add3A_496, %mul3A_509 : vector<16xf32>
        %mul3A_511 = arith.mulf %bitcast_convert_type3A_508, %get3A_90 : vector<16xf32>
        %add3A_512 = arith.addf %add3A_510, %mul3A_511 : vector<16xf32>
        %mul3A_513 = arith.mulf %bitcast_convert_type3A_506, %get3A_160 : vector<16xf32>
        %add3A_514 = arith.addf %add3A_500, %mul3A_513 : vector<16xf32>
        %mul3A_515 = arith.mulf %bitcast_convert_type3A_508, %get3A_170 : vector<16xf32>
        %add3A_516 = arith.addf %add3A_514, %mul3A_515 : vector<16xf32>
        %get3A_517 = arith.index_cast %scan3A_476 : i32 to index
        %get3A_518 = arith.constant 32 : index
        %get3A_519 = tpu.vector_load %arg8[%get3A_517, %get3A_518] {strides = array<i32>} : memref<128x64xi32, #tpu.memory_space<vmem>>, vector<1x16xi32>,
        %get3A_520 = vector.shape_cast %get3A_519 : vector<1x16xi32> to vector<16xi32>
        %shift_left3A_521 = arith.shli %get3A_520, %broadcast_in_dim3A_8 : vector<16xi32>
        %bitcast_convert_type3A_522 = tpu.bitcast %shift_left3A_521 : vector<16xi32> -> vector<16xf32>
        %and3A_523 = arith.andi %get3A_520, %broadcast_in_dim3A_10 : vector<16xi32>
        %bitcast_convert_type3A_524 = tpu.bitcast %and3A_523 : vector<16xi32> -> vector<16xf32>
        %mul3A_525 = arith.mulf %bitcast_convert_type3A_522, %get3A_100 : vector<16xf32>
        %add3A_526 = arith.addf %add3A_512, %mul3A_525 : vector<16xf32>
        %mul3A_527 = arith.mulf %bitcast_convert_type3A_524, %get3A_110 : vector<16xf32>
        %add3A_528 = arith.addf %add3A_526, %mul3A_527 : vector<16xf32>
        %mul3A_529 = arith.mulf %bitcast_convert_type3A_522, %get3A_180 : vector<16xf32>
        %add3A_530 = arith.addf %add3A_516, %mul3A_529 : vector<16xf32>
        %mul3A_531 = arith.mulf %bitcast_convert_type3A_524, %get3A_190 : vector<16xf32>
        %add3A_532 = arith.addf %add3A_530, %mul3A_531 : vector<16xf32>
        %get3A_533 = arith.index_cast %scan3A_476 : i32 to index
        %get3A_534 = arith.constant 48 : index
        %get3A_535 = tpu.vector_load %arg8[%get3A_533, %get3A_534] {strides = array<i32>} : memref<128x64xi32, #tpu.memory_space<vmem>>, vector<1x16xi32>,
        %get3A_536 = vector.shape_cast %get3A_535 : vector<1x16xi32> to vector<16xi32>
        %shift_left3A_537 = arith.shli %get3A_536, %broadcast_in_dim3A_8 : vector<16xi32>
        %bitcast_convert_type3A_538 = tpu.bitcast %shift_left3A_537 : vector<16xi32> -> vector<16xf32>
        %and3A_539 = arith.andi %get3A_536, %broadcast_in_dim3A_10 : vector<16xi32>
        %bitcast_convert_type3A_540 = tpu.bitcast %and3A_539 : vector<16xi32> -> vector<16xf32>
        %mul3A_541 = arith.mulf %bitcast_convert_type3A_538, %get3A_120 : vector<16xf32>
        %add3A_542 = arith.addf %add3A_528, %mul3A_541 : vector<16xf32>
        %mul3A_543 = arith.mulf %bitcast_convert_type3A_540, %get3A_130 : vector<16xf32>
        %add3A_544 = arith.addf %add3A_542, %mul3A_543 : vector<16xf32>
        %mul3A_545 = arith.mulf %bitcast_convert_type3A_538, %get3A_200 : vector<16xf32>
        %add3A_546 = arith.addf %add3A_532, %mul3A_545 : vector<16xf32>
        %mul3A_547 = arith.mulf %bitcast_convert_type3A_540, %get3A_210 : vector<16xf32>
        %add3A_548 = arith.addf %add3A_546, %mul3A_547 : vector<16xf32>
        %swap3A_549 = arith.index_cast %scan3A_476 : i32 to index
        %swap3A_550 = arith.constant 0 : index
        %swap3A_551 = tpu.vector_load %arg10[%swap3A_549, %swap3A_550] {strides = array<i32>} : memref<128x32xf32, #tpu.memory_space<vmem>>, vector<1x16xf32>,
        %swap3A_552 = vector.shape_cast %swap3A_551 : vector<1x16xf32> to vector<16xf32>
        %swap3A_553 = vector.shape_cast %add3A_544 : vector<16xf32> to vector<1x16xf32>
        tpu.vector_store %arg10[%swap3A_549, %swap3A_550], %swap3A_553 {strides = array<i32>} : memref<128x32xf32, #tpu.memory_space<vmem>>, vector<1x16xf32>,
        %swap3A_554 = arith.index_cast %scan3A_476 : i32 to index
        %swap3A_555 = arith.constant 16 : index
        %swap3A_556 = tpu.vector_load %arg10[%swap3A_554, %swap3A_555] {strides = array<i32>} : memref<128x32xf32, #tpu.memory_space<vmem>>, vector<1x16xf32>,
        %swap3A_557 = vector.shape_cast %swap3A_556 : vector<1x16xf32> to vector<16xf32>
        %swap3A_558 = vector.shape_cast %add3A_548 : vector<16xf32> to vector<1x16xf32>
        tpu.vector_store %arg10[%swap3A_554, %swap3A_555], %swap3A_558 {strides = array<i32>} : memref<128x32xf32, #tpu.memory_space<vmem>>, vector<1x16xf32>,
        %scan3A_559 = arith.constant 0 : i32
        %scan3A_560 = arith.constant 2 : i32
        %scan3A_561 = arith.addi %scan3A_394, %scan3A_560 : i32
        %get3A_562 = arith.index_cast %scan3A_561 : i32 to index
        %get3A_563 = arith.constant 0 : index
        %get3A_564 = tpu.vector_load %arg10[%get3A_562, %get3A_563] {strides = array<i32>} : memref<128x32xf32, #tpu.memory_space<vmem>>, vector<1x16xf32>,
        %get3A_565 = vector.shape_cast %get3A_564 : vector<1x16xf32> to vector<16xf32>
        %get3A_566 = arith.index_cast %scan3A_561 : i32 to index
        %get3A_567 = arith.constant 16 : index
        %get3A_568 = tpu.vector_load %arg10[%get3A_566, %get3A_567] {strides = array<i32>} : memref<128x32xf32, #tpu.memory_space<vmem>>, vector<1x16xf32>,
        %get3A_569 = vector.shape_cast %get3A_568 : vector<1x16xf32> to vector<16xf32>
        %get3A_570 = arith.index_cast %scan3A_561 : i32 to index
        %get3A_571 = arith.constant 0 : index
        %get3A_572 = tpu.vector_load %arg8[%get3A_570, %get3A_571] {strides = array<i32>} : memref<128x64xi32, #tpu.memory_space<vmem>>, vector<1x16xi32>,
        %get3A_573 = vector.shape_cast %get3A_572 : vector<1x16xi32> to vector<16xi32>
        %shift_left3A_574 = arith.shli %get3A_573, %broadcast_in_dim3A_8 : vector<16xi32>
        %bitcast_convert_type3A_575 = tpu.bitcast %shift_left3A_574 : vector<16xi32> -> vector<16xf32>
        %and3A_576 = arith.andi %get3A_573, %broadcast_in_dim3A_10 : vector<16xi32>
        %bitcast_convert_type3A_577 = tpu.bitcast %and3A_576 : vector<16xi32> -> vector<16xf32>
        %mul3A_578 = arith.mulf %bitcast_convert_type3A_575, %get3A_60 : vector<16xf32>
        %add3A_579 = arith.addf %get3A_565, %mul3A_578 : vector<16xf32>
        %mul3A_580 = arith.mulf %bitcast_convert_type3A_577, %get3A_70 : vector<16xf32>
        %add3A_581 = arith.addf %add3A_579, %mul3A_580 : vector<16xf32>
        %mul3A_582 = arith.mulf %bitcast_convert_type3A_575, %get3A_140 : vector<16xf32>
        %add3A_583 = arith.addf %get3A_569, %mul3A_582 : vector<16xf32>
        %mul3A_584 = arith.mulf %bitcast_convert_type3A_577, %get3A_150 : vector<16xf32>
        %add3A_585 = arith.addf %add3A_583, %mul3A_584 : vector<16xf32>
        %get3A_586 = arith.index_cast %scan3A_561 : i32 to index
        %get3A_587 = arith.constant 16 : index
        %get3A_588 = tpu.vector_load %arg8[%get3A_586, %get3A_587] {strides = array<i32>} : memref<128x64xi32, #tpu.memory_space<vmem>>, vector<1x16xi32>,
        %get3A_589 = vector.shape_cast %get3A_588 : vector<1x16xi32> to vector<16xi32>
        %shift_left3A_590 = arith.shli %get3A_589, %broadcast_in_dim3A_8 : vector<16xi32>
        %bitcast_convert_type3A_591 = tpu.bitcast %shift_left3A_590 : vector<16xi32> -> vector<16xf32>
        %and3A_592 = arith.andi %get3A_589, %broadcast_in_dim3A_10 : vector<16xi32>
        %bitcast_convert_type3A_593 = tpu.bitcast %and3A_592 : vector<16xi32> -> vector<16xf32>
        %mul3A_594 = arith.mulf %bitcast_convert_type3A_591, %get3A_80 : vector<16xf32>
        %add3A_595 = arith.addf %add3A_581, %mul3A_594 : vector<16xf32>
        %mul3A_596 = arith.mulf %bitcast_convert_type3A_593, %get3A_90 : vector<16xf32>
        %add3A_597 = arith.addf %add3A_595, %mul3A_596 : vector<16xf32>
        %mul3A_598 = arith.mulf %bitcast_convert_type3A_591, %get3A_160 : vector<16xf32>
        %add3A_599 = arith.addf %add3A_585, %mul3A_598 : vector<16xf32>
        %mul3A_600 = arith.mulf %bitcast_convert_type3A_593, %get3A_170 : vector<16xf32>
        %add3A_601 = arith.addf %add3A_599, %mul3A_600 : vector<16xf32>
        %get3A_602 = arith.index_cast %scan3A_561 : i32 to index
        %get3A_603 = arith.constant 32 : index
        %get3A_604 = tpu.vector_load %arg8[%get3A_602, %get3A_603] {strides = array<i32>} : memref<128x64xi32, #tpu.memory_space<vmem>>, vector<1x16xi32>,
        %get3A_605 = vector.shape_cast %get3A_604 : vector<1x16xi32> to vector<16xi32>
        %shift_left3A_606 = arith.shli %get3A_605, %broadcast_in_dim3A_8 : vector<16xi32>
        %bitcast_convert_type3A_607 = tpu.bitcast %shift_left3A_606 : vector<16xi32> -> vector<16xf32>
        %and3A_608 = arith.andi %get3A_605, %broadcast_in_dim3A_10 : vector<16xi32>
        %bitcast_convert_type3A_609 = tpu.bitcast %and3A_608 : vector<16xi32> -> vector<16xf32>
        %mul3A_610 = arith.mulf %bitcast_convert_type3A_607, %get3A_100 : vector<16xf32>
        %add3A_611 = arith.addf %add3A_597, %mul3A_610 : vector<16xf32>
        %mul3A_612 = arith.mulf %bitcast_convert_type3A_609, %get3A_110 : vector<16xf32>
        %add3A_613 = arith.addf %add3A_611, %mul3A_612 : vector<16xf32>
        %mul3A_614 = arith.mulf %bitcast_convert_type3A_607, %get3A_180 : vector<16xf32>
        %add3A_615 = arith.addf %add3A_601, %mul3A_614 : vector<16xf32>
        %mul3A_616 = arith.mulf %bitcast_convert_type3A_609, %get3A_190 : vector<16xf32>
        %add3A_617 = arith.addf %add3A_615, %mul3A_616 : vector<16xf32>
        %get3A_618 = arith.index_cast %scan3A_561 : i32 to index
        %get3A_619 = arith.constant 48 : index
        %get3A_620 = tpu.vector_load %arg8[%get3A_618, %get3A_619] {strides = array<i32>} : memref<128x64xi32, #tpu.memory_space<vmem>>, vector<1x16xi32>,
        %get3A_621 = vector.shape_cast %get3A_620 : vector<1x16xi32> to vector<16xi32>
        %shift_left3A_622 = arith.shli %get3A_621, %broadcast_in_dim3A_8 : vector<16xi32>
        %bitcast_convert_type3A_623 = tpu.bitcast %shift_left3A_622 : vector<16xi32> -> vector<16xf32>
        %and3A_624 = arith.andi %get3A_621, %broadcast_in_dim3A_10 : vector<16xi32>
        %bitcast_convert_type3A_625 = tpu.bitcast %and3A_624 : vector<16xi32> -> vector<16xf32>
        %mul3A_626 = arith.mulf %bitcast_convert_type3A_623, %get3A_120 : vector<16xf32>
        %add3A_627 = arith.addf %add3A_613, %mul3A_626 : vector<16xf32>
        %mul3A_628 = arith.mulf %bitcast_convert_type3A_625, %get3A_130 : vector<16xf32>
        %add3A_629 = arith.addf %add3A_627, %mul3A_628 : vector<16xf32>
        %mul3A_630 = arith.mulf %bitcast_convert_type3A_623, %get3A_200 : vector<16xf32>
        %add3A_631 = arith.addf %add3A_617, %mul3A_630 : vector<16xf32>
        %mul3A_632 = arith.mulf %bitcast_convert_type3A_625, %get3A_210 : vector<16xf32>
        %add3A_633 = arith.addf %add3A_631, %mul3A_632 : vector<16xf32>
        %swap3A_634 = arith.index_cast %scan3A_561 : i32 to index
        %swap3A_635 = arith.constant 0 : index
        %swap3A_636 = tpu.vector_load %arg10[%swap3A_634, %swap3A_635] {strides = array<i32>} : memref<128x32xf32, #tpu.memory_space<vmem>>, vector<1x16xf32>,
        %swap3A_637 = vector.shape_cast %swap3A_636 : vector<1x16xf32> to vector<16xf32>
        %swap3A_638 = vector.shape_cast %add3A_629 : vector<16xf32> to vector<1x16xf32>
        tpu.vector_store %arg10[%swap3A_634, %swap3A_635], %swap3A_638 {strides = array<i32>} : memref<128x32xf32, #tpu.memory_space<vmem>>, vector<1x16xf32>,
        %swap3A_639 = arith.index_cast %scan3A_561 : i32 to index
        %swap3A_640 = arith.constant 16 : index
        %swap3A_641 = tpu.vector_load %arg10[%swap3A_639, %swap3A_640] {strides = array<i32>} : memref<128x32xf32, #tpu.memory_space<vmem>>, vector<1x16xf32>,
        %swap3A_642 = vector.shape_cast %swap3A_641 : vector<1x16xf32> to vector<16xf32>
        %swap3A_643 = vector.shape_cast %add3A_633 : vector<16xf32> to vector<1x16xf32>
        tpu.vector_store %arg10[%swap3A_639, %swap3A_640], %swap3A_643 {strides = array<i32>} : memref<128x32xf32, #tpu.memory_space<vmem>>, vector<1x16xf32>,
        %scan3A_644 = arith.constant 0 : i32
        %scan3A_645 = arith.constant 3 : i32
        %scan3A_646 = arith.addi %scan3A_394, %scan3A_645 : i32
        %get3A_647 = arith.index_cast %scan3A_646 : i32 to index
        %get3A_648 = arith.constant 0 : index
        %get3A_649 = tpu.vector_load %arg10[%get3A_647, %get3A_648] {strides = array<i32>} : memref<128x32xf32, #tpu.memory_space<vmem>>, vector<1x16xf32>,
        %get3A_650 = vector.shape_cast %get3A_649 : vector<1x16xf32> to vector<16xf32>
        %get3A_651 = arith.index_cast %scan3A_646 : i32 to index
        %get3A_652 = arith.constant 16 : index
        %get3A_653 = tpu.vector_load %arg10[%get3A_651, %get3A_652] {strides = array<i32>} : memref<128x32xf32, #tpu.memory_space<vmem>>, vector<1x16xf32>,
        %get3A_654 = vector.shape_cast %get3A_653 : vector<1x16xf32> to vector<16xf32>
        %get3A_655 = arith.index_cast %scan3A_646 : i32 to index
        %get3A_656 = arith.constant 0 : index
        %get3A_657 = tpu.vector_load %arg8[%get3A_655, %get3A_656] {strides = array<i32>} : memref<128x64xi32, #tpu.memory_space<vmem>>, vector<1x16xi32>,
        %get3A_658 = vector.shape_cast %get3A_657 : vector<1x16xi32> to vector<16xi32>
        %shift_left3A_659 = arith.shli %get3A_658, %broadcast_in_dim3A_8 : vector<16xi32>
        %bitcast_convert_type3A_660 = tpu.bitcast %shift_left3A_659 : vector<16xi32> -> vector<16xf32>
        %and3A_661 = arith.andi %get3A_658, %broadcast_in_dim3A_10 : vector<16xi32>
        %bitcast_convert_type3A_662 = tpu.bitcast %and3A_661 : vector<16xi32> -> vector<16xf32>
        %mul3A_663 = arith.mulf %bitcast_convert_type3A_660, %get3A_60 : vector<16xf32>
        %add3A_664 = arith.addf %get3A_650, %mul3A_663 : vector<16xf32>
        %mul3A_665 = arith.mulf %bitcast_convert_type3A_662, %get3A_70 : vector<16xf32>
        %add3A_666 = arith.addf %add3A_664, %mul3A_665 : vector<16xf32>
        %mul3A_667 = arith.mulf %bitcast_convert_type3A_660, %get3A_140 : vector<16xf32>
        %add3A_668 = arith.addf %get3A_654, %mul3A_667 : vector<16xf32>
        %mul3A_669 = arith.mulf %bitcast_convert_type3A_662, %get3A_150 : vector<16xf32>
        %add3A_670 = arith.addf %add3A_668, %mul3A_669 : vector<16xf32>
        %get3A_671 = arith.index_cast %scan3A_646 : i32 to index
        %get3A_672 = arith.constant 16 : index
        %get3A_673 = tpu.vector_load %arg8[%get3A_671, %get3A_672] {strides = array<i32>} : memref<128x64xi32, #tpu.memory_space<vmem>>, vector<1x16xi32>,
        %get3A_674 = vector.shape_cast %get3A_673 : vector<1x16xi32> to vector<16xi32>
        %shift_left3A_675 = arith.shli %get3A_674, %broadcast_in_dim3A_8 : vector<16xi32>
        %bitcast_convert_type3A_676 = tpu.bitcast %shift_left3A_675 : vector<16xi32> -> vector<16xf32>
        %and3A_677 = arith.andi %get3A_674, %broadcast_in_dim3A_10 : vector<16xi32>
        %bitcast_convert_type3A_678 = tpu.bitcast %and3A_677 : vector<16xi32> -> vector<16xf32>
        %mul3A_679 = arith.mulf %bitcast_convert_type3A_676, %get3A_80 : vector<16xf32>
        %add3A_680 = arith.addf %add3A_666, %mul3A_679 : vector<16xf32>
        %mul3A_681 = arith.mulf %bitcast_convert_type3A_678, %get3A_90 : vector<16xf32>
        %add3A_682 = arith.addf %add3A_680, %mul3A_681 : vector<16xf32>
        %mul3A_683 = arith.mulf %bitcast_convert_type3A_676, %get3A_160 : vector<16xf32>
        %add3A_684 = arith.addf %add3A_670, %mul3A_683 : vector<16xf32>
        %mul3A_685 = arith.mulf %bitcast_convert_type3A_678, %get3A_170 : vector<16xf32>
        %add3A_686 = arith.addf %add3A_684, %mul3A_685 : vector<16xf32>
        %get3A_687 = arith.index_cast %scan3A_646 : i32 to index
        %get3A_688 = arith.constant 32 : index
        %get3A_689 = tpu.vector_load %arg8[%get3A_687, %get3A_688] {strides = array<i32>} : memref<128x64xi32, #tpu.memory_space<vmem>>, vector<1x16xi32>,
        %get3A_690 = vector.shape_cast %get3A_689 : vector<1x16xi32> to vector<16xi32>
        %shift_left3A_691 = arith.shli %get3A_690, %broadcast_in_dim3A_8 : vector<16xi32>
        %bitcast_convert_type3A_692 = tpu.bitcast %shift_left3A_691 : vector<16xi32> -> vector<16xf32>
        %and3A_693 = arith.andi %get3A_690, %broadcast_in_dim3A_10 : vector<16xi32>
        %bitcast_convert_type3A_694 = tpu.bitcast %and3A_693 : vector<16xi32> -> vector<16xf32>
        %mul3A_695 = arith.mulf %bitcast_convert_type3A_692, %get3A_100 : vector<16xf32>
        %add3A_696 = arith.addf %add3A_682, %mul3A_695 : vector<16xf32>
        %mul3A_697 = arith.mulf %bitcast_convert_type3A_694, %get3A_110 : vector<16xf32>
        %add3A_698 = arith.addf %add3A_696, %mul3A_697 : vector<16xf32>
        %mul3A_699 = arith.mulf %bitcast_convert_type3A_692, %get3A_180 : vector<16xf32>
        %add3A_700 = arith.addf %add3A_686, %mul3A_699 : vector<16xf32>
        %mul3A_701 = arith.mulf %bitcast_convert_type3A_694, %get3A_190 : vector<16xf32>
        %add3A_702 = arith.addf %add3A_700, %mul3A_701 : vector<16xf32>
        %get3A_703 = arith.index_cast %scan3A_646 : i32 to index
        %get3A_704 = arith.constant 48 : index
        %get3A_705 = tpu.vector_load %arg8[%get3A_703, %get3A_704] {strides = array<i32>} : memref<128x64xi32, #tpu.memory_space<vmem>>, vector<1x16xi32>,
        %get3A_706 = vector.shape_cast %get3A_705 : vector<1x16xi32> to vector<16xi32>
        %shift_left3A_707 = arith.shli %get3A_706, %broadcast_in_dim3A_8 : vector<16xi32>
        %bitcast_convert_type3A_708 = tpu.bitcast %shift_left3A_707 : vector<16xi32> -> vector<16xf32>
        %and3A_709 = arith.andi %get3A_706, %broadcast_in_dim3A_10 : vector<16xi32>
        %bitcast_convert_type3A_710 = tpu.bitcast %and3A_709 : vector<16xi32> -> vector<16xf32>
        %mul3A_711 = arith.mulf %bitcast_convert_type3A_708, %get3A_120 : vector<16xf32>
        %add3A_712 = arith.addf %add3A_698, %mul3A_711 : vector<16xf32>
        %mul3A_713 = arith.mulf %bitcast_convert_type3A_710, %get3A_130 : vector<16xf32>
        %add3A_714 = arith.addf %add3A_712, %mul3A_713 : vector<16xf32>
        %mul3A_715 = arith.mulf %bitcast_convert_type3A_708, %get3A_200 : vector<16xf32>
        %add3A_716 = arith.addf %add3A_702, %mul3A_715 : vector<16xf32>
        %mul3A_717 = arith.mulf %bitcast_convert_type3A_710, %get3A_210 : vector<16xf32>
        %add3A_718 = arith.addf %add3A_716, %mul3A_717 : vector<16xf32>
        %swap3A_719 = arith.index_cast %scan3A_646 : i32 to index
        %swap3A_720 = arith.constant 0 : index
        %swap3A_721 = tpu.vector_load %arg10[%swap3A_719, %swap3A_720] {strides = array<i32>} : memref<128x32xf32, #tpu.memory_space<vmem>>, vector<1x16xf32>,
        %swap3A_722 = vector.shape_cast %swap3A_721 : vector<1x16xf32> to vector<16xf32>
        %swap3A_723 = vector.shape_cast %add3A_714 : vector<16xf32> to vector<1x16xf32>
        tpu.vector_store %arg10[%swap3A_719, %swap3A_720], %swap3A_723 {strides = array<i32>} : memref<128x32xf32, #tpu.memory_space<vmem>>, vector<1x16xf32>,
        %swap3A_724 = arith.index_cast %scan3A_646 : i32 to index
        %swap3A_725 = arith.constant 16 : index
        %swap3A_726 = tpu.vector_load %arg10[%swap3A_724, %swap3A_725] {strides = array<i32>} : memref<128x32xf32, #tpu.memory_space<vmem>>, vector<1x16xf32>,
        %swap3A_727 = vector.shape_cast %swap3A_726 : vector<1x16xf32> to vector<16xf32>
        %swap3A_728 = vector.shape_cast %add3A_718 : vector<16xf32> to vector<1x16xf32>
        tpu.vector_store %arg10[%swap3A_724, %swap3A_725], %swap3A_728 {strides = array<i32>} : memref<128x32xf32, #tpu.memory_space<vmem>>, vector<1x16xf32>,
        %scan3A_729 = arith.constant 0 : i32
        scf.yield %scan3A_729 : i32
      }
      %scan3A_217 = arith.constant 128 : i32
      %lt3A = arith.constant 129 : i32
      %lt3A_218 = arith.cmpi slt, %scan3A_34, %lt3A : i32
      %convert_element_type3A = arith.extui %lt3A_218 : i1 to i32
      %cond3A = arith.constant 0 : i32
      %cond3A_219 = arith.cmpi ne, %convert_element_type3A, %cond3A : i32
      scf.if %cond3A_219 {
        %add3A_394 = arith.constant 2 : i32
        %add3A_395 = arith.addi %mul3A_37, %add3A_394 : i32
        %dma_start3A_396 = arith.constant 0 : i32
        %dma_start3A_397 = tpu.memref_slice %arg7[%add3A_395, %dma_start3A_396] : memref<260x128xi32, #tpu.memory_space<vmem>> -> memref<1x128xi32, #tpu.memory_space<vmem>>
        %dma_start3A_398 = tpu.memref_squeeze %dma_start3A_397 : memref<1x128xi32, #tpu.memory_space<vmem>> -> memref<128xi32, #tpu.memory_space<vmem>>
        %dma_start3A_399 = arith.constant 0 : i32
        %dma_start3A_400 = arith.constant 0 : i32
        %dma_start3A_401 = tpu.memref_slice %arg3[%dma_start3A_399, %dma_start3A_400] : memref<100000x64xi32, #tpu.memory_space<hbm>> -> memref<100000x64xi32, #tpu.memory_space<hbm>>
        tpu.enqueue_indirect_dma source(%dma_start3A_401 : memref<100000x64xi32, #tpu.memory_space<hbm>>) target(%arg8 : memref<128x64xi32, #tpu.memory_space<vmem>>) offsets(%dma_start3A_398 : memref<128xi32, #tpu.memory_space<vmem>>) semaphore(%arg13 : memref<!tpu.dma_semaphore, #tpu.memory_space<semaphore_mem>>)
      } else {
      }
      %dma_wait3A_220 = arith.constant 0 : i32
      %dma_wait3A_221 = tpu.memref_slice %arg7[%add3A_39, %dma_wait3A_220] : memref<260x128xi32, #tpu.memory_space<vmem>> -> memref<1x128xi32, #tpu.memory_space<vmem>>
      %dma_wait3A_222 = tpu.memref_squeeze %dma_wait3A_221 : memref<1x128xi32, #tpu.memory_space<vmem>> -> memref<128xi32, #tpu.memory_space<vmem>>
      %dma_wait3A_223 = arith.constant 0 : i32
      %dma_wait3A_224 = arith.constant 0 : i32
      %dma_wait3A_225 = tpu.memref_slice %arg3[%dma_wait3A_223, %dma_wait3A_224] : memref<100000x64xi32, #tpu.memory_space<hbm>> -> memref<100000x64xi32, #tpu.memory_space<hbm>>
      tpu.wait_indirect_dma semaphore(%arg14 : memref<!tpu.dma_semaphore, #tpu.memory_space<semaphore_mem>>) src(%dma_wait3A_225 : memref<100000x64xi32, #tpu.memory_space<hbm>>) dst(%arg9 : memref<128x64xi32, #tpu.memory_space<vmem>>)
      %get3A_226 = arith.constant 0 : i32
      %get3A_227 = arith.constant 0 : i32
      %get3A_228 = arith.constant 0 : i32
      %get3A_229 = arith.index_cast %add3A_39 : i32 to index
      %get3A_230 = arith.index_cast %get3A_226 : i32 to index
      %get3A_231 = arith.index_cast %get3A_227 : i32 to index
      %get3A_232 = arith.index_cast %get3A_228 : i32 to index
      %get3A_233 = arith.constant 0 : index
      %get3A_234 = tpu.vector_load %arg6[%get3A_229, %get3A_230, %get3A_231, %get3A_232, %get3A_233] {strides = array<i32>} : memref<260x2x4x2x16xf32, #tpu.memory_space<vmem>>, vector<1x1x1x1x16xf32>,
      %get3A_235 = vector.shape_cast %get3A_234 : vector<1x1x1x1x16xf32> to vector<16xf32>
      %get3A_236 = arith.constant 0 : i32
      %get3A_237 = arith.constant 0 : i32
      %get3A_238 = arith.constant 1 : i32
      %get3A_239 = arith.index_cast %add3A_39 : i32 to index
      %get3A_240 = arith.index_cast %get3A_236 : i32 to index
      %get3A_241 = arith.index_cast %get3A_237 : i32 to index
      %get3A_242 = arith.index_cast %get3A_238 : i32 to index
      %get3A_243 = arith.constant 0 : index
      %get3A_244 = tpu.vector_load %arg6[%get3A_239, %get3A_240, %get3A_241, %get3A_242, %get3A_243] {strides = array<i32>} : memref<260x2x4x2x16xf32, #tpu.memory_space<vmem>>, vector<1x1x1x1x16xf32>,
      %get3A_245 = vector.shape_cast %get3A_244 : vector<1x1x1x1x16xf32> to vector<16xf32>
      %get3A_246 = arith.constant 0 : i32
      %get3A_247 = arith.constant 1 : i32
      %get3A_248 = arith.constant 0 : i32
      %get3A_249 = arith.index_cast %add3A_39 : i32 to index
      %get3A_250 = arith.index_cast %get3A_246 : i32 to index
      %get3A_251 = arith.index_cast %get3A_247 : i32 to index
      %get3A_252 = arith.index_cast %get3A_248 : i32 to index
      %get3A_253 = arith.constant 0 : index
      %get3A_254 = tpu.vector_load %arg6[%get3A_249, %get3A_250, %get3A_251, %get3A_252, %get3A_253] {strides = array<i32>} : memref<260x2x4x2x16xf32, #tpu.memory_space<vmem>>, vector<1x1x1x1x16xf32>,
      %get3A_255 = vector.shape_cast %get3A_254 : vector<1x1x1x1x16xf32> to vector<16xf32>
      %get3A_256 = arith.constant 0 : i32
      %get3A_257 = arith.constant 1 : i32
      %get3A_258 = arith.constant 1 : i32
      %get3A_259 = arith.index_cast %add3A_39 : i32 to index
      %get3A_260 = arith.index_cast %get3A_256 : i32 to index
      %get3A_261 = arith.index_cast %get3A_257 : i32 to index
      %get3A_262 = arith.index_cast %get3A_258 : i32 to index
      %get3A_263 = arith.constant 0 : index
      %get3A_264 = tpu.vector_load %arg6[%get3A_259, %get3A_260, %get3A_261, %get3A_262, %get3A_263] {strides = array<i32>} : memref<260x2x4x2x16xf32, #tpu.memory_space<vmem>>, vector<1x1x1x1x16xf32>,
      %get3A_265 = vector.shape_cast %get3A_264 : vector<1x1x1x1x16xf32> to vector<16xf32>
      %get3A_266 = arith.constant 0 : i32
      %get3A_267 = arith.constant 2 : i32
      %get3A_268 = arith.constant 0 : i32
      %get3A_269 = arith.index_cast %add3A_39 : i32 to index
      %get3A_270 = arith.index_cast %get3A_266 : i32 to index
      %get3A_271 = arith.index_cast %get3A_267 : i32 to index
      %get3A_272 = arith.index_cast %get3A_268 : i32 to index
      %get3A_273 = arith.constant 0 : index
      %get3A_274 = tpu.vector_load %arg6[%get3A_269, %get3A_270, %get3A_271, %get3A_272, %get3A_273] {strides = array<i32>} : memref<260x2x4x2x16xf32, #tpu.memory_space<vmem>>, vector<1x1x1x1x16xf32>,
      %get3A_275 = vector.shape_cast %get3A_274 : vector<1x1x1x1x16xf32> to vector<16xf32>
      %get3A_276 = arith.constant 0 : i32
      %get3A_277 = arith.constant 2 : i32
      %get3A_278 = arith.constant 1 : i32
      %get3A_279 = arith.index_cast %add3A_39 : i32 to index
      %get3A_280 = arith.index_cast %get3A_276 : i32 to index
      %get3A_281 = arith.index_cast %get3A_277 : i32 to index
      %get3A_282 = arith.index_cast %get3A_278 : i32 to index
      %get3A_283 = arith.constant 0 : index
      %get3A_284 = tpu.vector_load %arg6[%get3A_279, %get3A_280, %get3A_281, %get3A_282, %get3A_283] {strides = array<i32>} : memref<260x2x4x2x16xf32, #tpu.memory_space<vmem>>, vector<1x1x1x1x16xf32>,
      %get3A_285 = vector.shape_cast %get3A_284 : vector<1x1x1x1x16xf32> to vector<16xf32>
      %get3A_286 = arith.constant 0 : i32
      %get3A_287 = arith.constant 3 : i32
      %get3A_288 = arith.constant 0 : i32
      %get3A_289 = arith.index_cast %add3A_39 : i32 to index
      %get3A_290 = arith.index_cast %get3A_286 : i32 to index
      %get3A_291 = arith.index_cast %get3A_287 : i32 to index
      %get3A_292 = arith.index_cast %get3A_288 : i32 to index
      %get3A_293 = arith.constant 0 : index
      %get3A_294 = tpu.vector_load %arg6[%get3A_289, %get3A_290, %get3A_291, %get3A_292, %get3A_293] {strides = array<i32>} : memref<260x2x4x2x16xf32, #tpu.memory_space<vmem>>, vector<1x1x1x1x16xf32>,
      %get3A_295 = vector.shape_cast %get3A_294 : vector<1x1x1x1x16xf32> to vector<16xf32>
      %get3A_296 = arith.constant 0 : i32
      %get3A_297 = arith.constant 3 : i32
      %get3A_298 = arith.constant 1 : i32
      %get3A_299 = arith.index_cast %add3A_39 : i32 to index
      %get3A_300 = arith.index_cast %get3A_296 : i32 to index
      %get3A_301 = arith.index_cast %get3A_297 : i32 to index
      %get3A_302 = arith.index_cast %get3A_298 : i32 to index
      %get3A_303 = arith.constant 0 : index
      %get3A_304 = tpu.vector_load %arg6[%get3A_299, %get3A_300, %get3A_301, %get3A_302, %get3A_303] {strides = array<i32>} : memref<260x2x4x2x16xf32, #tpu.memory_space<vmem>>, vector<1x1x1x1x16xf32>,
      %get3A_305 = vector.shape_cast %get3A_304 : vector<1x1x1x1x16xf32> to vector<16xf32>
      %get3A_306 = arith.constant 1 : i32
      %get3A_307 = arith.constant 0 : i32
      %get3A_308 = arith.constant 0 : i32
      %get3A_309 = arith.index_cast %add3A_39 : i32 to index
      %get3A_310 = arith.index_cast %get3A_306 : i32 to index
      %get3A_311 = arith.index_cast %get3A_307 : i32 to index
      %get3A_312 = arith.index_cast %get3A_308 : i32 to index
      %get3A_313 = arith.constant 0 : index
      %get3A_314 = tpu.vector_load %arg6[%get3A_309, %get3A_310, %get3A_311, %get3A_312, %get3A_313] {strides = array<i32>} : memref<260x2x4x2x16xf32, #tpu.memory_space<vmem>>, vector<1x1x1x1x16xf32>,
      %get3A_315 = vector.shape_cast %get3A_314 : vector<1x1x1x1x16xf32> to vector<16xf32>
      %get3A_316 = arith.constant 1 : i32
      %get3A_317 = arith.constant 0 : i32
      %get3A_318 = arith.constant 1 : i32
      %get3A_319 = arith.index_cast %add3A_39 : i32 to index
      %get3A_320 = arith.index_cast %get3A_316 : i32 to index
      %get3A_321 = arith.index_cast %get3A_317 : i32 to index
      %get3A_322 = arith.index_cast %get3A_318 : i32 to index
      %get3A_323 = arith.constant 0 : index
      %get3A_324 = tpu.vector_load %arg6[%get3A_319, %get3A_320, %get3A_321, %get3A_322, %get3A_323] {strides = array<i32>} : memref<260x2x4x2x16xf32, #tpu.memory_space<vmem>>, vector<1x1x1x1x16xf32>,
      %get3A_325 = vector.shape_cast %get3A_324 : vector<1x1x1x1x16xf32> to vector<16xf32>
      %get3A_326 = arith.constant 1 : i32
      %get3A_327 = arith.constant 1 : i32
      %get3A_328 = arith.constant 0 : i32
      %get3A_329 = arith.index_cast %add3A_39 : i32 to index
      %get3A_330 = arith.index_cast %get3A_326 : i32 to index
      %get3A_331 = arith.index_cast %get3A_327 : i32 to index
      %get3A_332 = arith.index_cast %get3A_328 : i32 to index
      %get3A_333 = arith.constant 0 : index
      %get3A_334 = tpu.vector_load %arg6[%get3A_329, %get3A_330, %get3A_331, %get3A_332, %get3A_333] {strides = array<i32>} : memref<260x2x4x2x16xf32, #tpu.memory_space<vmem>>, vector<1x1x1x1x16xf32>,
      %get3A_335 = vector.shape_cast %get3A_334 : vector<1x1x1x1x16xf32> to vector<16xf32>
      %get3A_336 = arith.constant 1 : i32
      %get3A_337 = arith.constant 1 : i32
      %get3A_338 = arith.constant 1 : i32
      %get3A_339 = arith.index_cast %add3A_39 : i32 to index
      %get3A_340 = arith.index_cast %get3A_336 : i32 to index
      %get3A_341 = arith.index_cast %get3A_337 : i32 to index
      %get3A_342 = arith.index_cast %get3A_338 : i32 to index
      %get3A_343 = arith.constant 0 : index
      %get3A_344 = tpu.vector_load %arg6[%get3A_339, %get3A_340, %get3A_341, %get3A_342, %get3A_343] {strides = array<i32>} : memref<260x2x4x2x16xf32, #tpu.memory_space<vmem>>, vector<1x1x1x1x16xf32>,
      %get3A_345 = vector.shape_cast %get3A_344 : vector<1x1x1x1x16xf32> to vector<16xf32>
      %get3A_346 = arith.constant 1 : i32
      %get3A_347 = arith.constant 2 : i32
      %get3A_348 = arith.constant 0 : i32
      %get3A_349 = arith.index_cast %add3A_39 : i32 to index
      %get3A_350 = arith.index_cast %get3A_346 : i32 to index
      %get3A_351 = arith.index_cast %get3A_347 : i32 to index
      %get3A_352 = arith.index_cast %get3A_348 : i32 to index
      %get3A_353 = arith.constant 0 : index
      %get3A_354 = tpu.vector_load %arg6[%get3A_349, %get3A_350, %get3A_351, %get3A_352, %get3A_353] {strides = array<i32>} : memref<260x2x4x2x16xf32, #tpu.memory_space<vmem>>, vector<1x1x1x1x16xf32>,
      %get3A_355 = vector.shape_cast %get3A_354 : vector<1x1x1x1x16xf32> to vector<16xf32>
      %get3A_356 = arith.constant 1 : i32
      %get3A_357 = arith.constant 2 : i32
      %get3A_358 = arith.constant 1 : i32
      %get3A_359 = arith.index_cast %add3A_39 : i32 to index
      %get3A_360 = arith.index_cast %get3A_356 : i32 to index
      %get3A_361 = arith.index_cast %get3A_357 : i32 to index
      %get3A_362 = arith.index_cast %get3A_358 : i32 to index
      %get3A_363 = arith.constant 0 : index
      %get3A_364 = tpu.vector_load %arg6[%get3A_359, %get3A_360, %get3A_361, %get3A_362, %get3A_363] {strides = array<i32>} : memref<260x2x4x2x16xf32, #tpu.memory_space<vmem>>, vector<1x1x1x1x16xf32>,
      %get3A_365 = vector.shape_cast %get3A_364 : vector<1x1x1x1x16xf32> to vector<16xf32>
      %get3A_366 = arith.constant 1 : i32
      %get3A_367 = arith.constant 3 : i32
      %get3A_368 = arith.constant 0 : i32
      %get3A_369 = arith.index_cast %add3A_39 : i32 to index
      %get3A_370 = arith.index_cast %get3A_366 : i32 to index
      %get3A_371 = arith.index_cast %get3A_367 : i32 to index
      %get3A_372 = arith.index_cast %get3A_368 : i32 to index
      %get3A_373 = arith.constant 0 : index
      %get3A_374 = tpu.vector_load %arg6[%get3A_369, %get3A_370, %get3A_371, %get3A_372, %get3A_373] {strides = array<i32>} : memref<260x2x4x2x16xf32, #tpu.memory_space<vmem>>, vector<1x1x1x1x16xf32>,
      %get3A_375 = vector.shape_cast %get3A_374 : vector<1x1x1x1x16xf32> to vector<16xf32>
      %get3A_376 = arith.constant 1 : i32
      %get3A_377 = arith.constant 3 : i32
      %get3A_378 = arith.constant 1 : i32
      %get3A_379 = arith.index_cast %add3A_39 : i32 to index
      %get3A_380 = arith.index_cast %get3A_376 : i32 to index
      %get3A_381 = arith.index_cast %get3A_377 : i32 to index
      %get3A_382 = arith.index_cast %get3A_378 : i32 to index
      %get3A_383 = arith.constant 0 : index
      %get3A_384 = tpu.vector_load %arg6[%get3A_379, %get3A_380, %get3A_381, %get3A_382, %get3A_383] {strides = array<i32>} : memref<260x2x4x2x16xf32, #tpu.memory_space<vmem>>, vector<1x1x1x1x16xf32>,
      %get3A_385 = vector.shape_cast %get3A_384 : vector<1x1x1x1x16xf32> to vector<16xf32>
      %scan3A_386 = arith.constant 0 : i32
      %scan3A_387 = arith.constant 0 : i32
      %scan3A_388 = arith.constant 128 : i32
      %scan3A_389 = arith.addi %scan3A_387, %scan3A_388 : i32
      %scan3A_390 = arith.constant 4 : i32
      %scan3A_391 = scf.for %scan3A_394 = %scan3A_387 to %scan3A_389 step %scan3A_390 iter_args(%scan3A_395 = %scan3A_386) -> (i32)  : i32 {
        %get3A_396 = arith.index_cast %scan3A_394 : i32 to index
        %get3A_397 = arith.constant 0 : index
        %get3A_398 = tpu.vector_load %arg10[%get3A_396, %get3A_397] {strides = array<i32>} : memref<128x32xf32, #tpu.memory_space<vmem>>, vector<1x16xf32>,
        %get3A_399 = vector.shape_cast %get3A_398 : vector<1x16xf32> to vector<16xf32>
        %get3A_400 = arith.index_cast %scan3A_394 : i32 to index
        %get3A_401 = arith.constant 16 : index
        %get3A_402 = tpu.vector_load %arg10[%get3A_400, %get3A_401] {strides = array<i32>} : memref<128x32xf32, #tpu.memory_space<vmem>>, vector<1x16xf32>,
        %get3A_403 = vector.shape_cast %get3A_402 : vector<1x16xf32> to vector<16xf32>
        %get3A_404 = arith.index_cast %scan3A_394 : i32 to index
        %get3A_405 = arith.constant 0 : index
        %get3A_406 = tpu.vector_load %arg9[%get3A_404, %get3A_405] {strides = array<i32>} : memref<128x64xi32, #tpu.memory_space<vmem>>, vector<1x16xi32>,
        %get3A_407 = vector.shape_cast %get3A_406 : vector<1x16xi32> to vector<16xi32>
        %shift_left3A = arith.shli %get3A_407, %broadcast_in_dim3A_8 : vector<16xi32>
        %bitcast_convert_type3A = tpu.bitcast %shift_left3A : vector<16xi32> -> vector<16xf32>
        %and3A = arith.andi %get3A_407, %broadcast_in_dim3A_10 : vector<16xi32>
        %bitcast_convert_type3A_408 = tpu.bitcast %and3A : vector<16xi32> -> vector<16xf32>
        %mul3A_409 = arith.mulf %bitcast_convert_type3A, %get3A_235 : vector<16xf32>
        %add3A_410 = arith.addf %get3A_399, %mul3A_409 : vector<16xf32>
        %mul3A_411 = arith.mulf %bitcast_convert_type3A_408, %get3A_245 : vector<16xf32>
        %add3A_412 = arith.addf %add3A_410, %mul3A_411 : vector<16xf32>
        %mul3A_413 = arith.mulf %bitcast_convert_type3A, %get3A_315 : vector<16xf32>
        %add3A_414 = arith.addf %get3A_403, %mul3A_413 : vector<16xf32>
        %mul3A_415 = arith.mulf %bitcast_convert_type3A_408, %get3A_325 : vector<16xf32>
        %add3A_416 = arith.addf %add3A_414, %mul3A_415 : vector<16xf32>
        %get3A_417 = arith.index_cast %scan3A_394 : i32 to index
        %get3A_418 = arith.constant 16 : index
        %get3A_419 = tpu.vector_load %arg9[%get3A_417, %get3A_418] {strides = array<i32>} : memref<128x64xi32, #tpu.memory_space<vmem>>, vector<1x16xi32>,
        %get3A_420 = vector.shape_cast %get3A_419 : vector<1x16xi32> to vector<16xi32>
        %shift_left3A_421 = arith.shli %get3A_420, %broadcast_in_dim3A_8 : vector<16xi32>
        %bitcast_convert_type3A_422 = tpu.bitcast %shift_left3A_421 : vector<16xi32> -> vector<16xf32>
        %and3A_423 = arith.andi %get3A_420, %broadcast_in_dim3A_10 : vector<16xi32>
        %bitcast_convert_type3A_424 = tpu.bitcast %and3A_423 : vector<16xi32> -> vector<16xf32>
        %mul3A_425 = arith.mulf %bitcast_convert_type3A_422, %get3A_255 : vector<16xf32>
        %add3A_426 = arith.addf %add3A_412, %mul3A_425 : vector<16xf32>
        %mul3A_427 = arith.mulf %bitcast_convert_type3A_424, %get3A_265 : vector<16xf32>
        %add3A_428 = arith.addf %add3A_426, %mul3A_427 : vector<16xf32>
        %mul3A_429 = arith.mulf %bitcast_convert_type3A_422, %get3A_335 : vector<16xf32>
        %add3A_430 = arith.addf %add3A_416, %mul3A_429 : vector<16xf32>
        %mul3A_431 = arith.mulf %bitcast_convert_type3A_424, %get3A_345 : vector<16xf32>
        %add3A_432 = arith.addf %add3A_430, %mul3A_431 : vector<16xf32>
        %get3A_433 = arith.index_cast %scan3A_394 : i32 to index
        %get3A_434 = arith.constant 32 : index
        %get3A_435 = tpu.vector_load %arg9[%get3A_433, %get3A_434] {strides = array<i32>} : memref<128x64xi32, #tpu.memory_space<vmem>>, vector<1x16xi32>,
        %get3A_436 = vector.shape_cast %get3A_435 : vector<1x16xi32> to vector<16xi32>
        %shift_left3A_437 = arith.shli %get3A_436, %broadcast_in_dim3A_8 : vector<16xi32>
        %bitcast_convert_type3A_438 = tpu.bitcast %shift_left3A_437 : vector<16xi32> -> vector<16xf32>
        %and3A_439 = arith.andi %get3A_436, %broadcast_in_dim3A_10 : vector<16xi32>
        %bitcast_convert_type3A_440 = tpu.bitcast %and3A_439 : vector<16xi32> -> vector<16xf32>
        %mul3A_441 = arith.mulf %bitcast_convert_type3A_438, %get3A_275 : vector<16xf32>
        %add3A_442 = arith.addf %add3A_428, %mul3A_441 : vector<16xf32>
        %mul3A_443 = arith.mulf %bitcast_convert_type3A_440, %get3A_285 : vector<16xf32>
        %add3A_444 = arith.addf %add3A_442, %mul3A_443 : vector<16xf32>
        %mul3A_445 = arith.mulf %bitcast_convert_type3A_438, %get3A_355 : vector<16xf32>
        %add3A_446 = arith.addf %add3A_432, %mul3A_445 : vector<16xf32>
        %mul3A_447 = arith.mulf %bitcast_convert_type3A_440, %get3A_365 : vector<16xf32>
        %add3A_448 = arith.addf %add3A_446, %mul3A_447 : vector<16xf32>
        %get3A_449 = arith.index_cast %scan3A_394 : i32 to index
        %get3A_450 = arith.constant 48 : index
        %get3A_451 = tpu.vector_load %arg9[%get3A_449, %get3A_450] {strides = array<i32>} : memref<128x64xi32, #tpu.memory_space<vmem>>, vector<1x16xi32>,
        %get3A_452 = vector.shape_cast %get3A_451 : vector<1x16xi32> to vector<16xi32>
        %shift_left3A_453 = arith.shli %get3A_452, %broadcast_in_dim3A_8 : vector<16xi32>
        %bitcast_convert_type3A_454 = tpu.bitcast %shift_left3A_453 : vector<16xi32> -> vector<16xf32>
        %and3A_455 = arith.andi %get3A_452, %broadcast_in_dim3A_10 : vector<16xi32>
        %bitcast_convert_type3A_456 = tpu.bitcast %and3A_455 : vector<16xi32> -> vector<16xf32>
        %mul3A_457 = arith.mulf %bitcast_convert_type3A_454, %get3A_295 : vector<16xf32>
        %add3A_458 = arith.addf %add3A_444, %mul3A_457 : vector<16xf32>
        %mul3A_459 = arith.mulf %bitcast_convert_type3A_456, %get3A_305 : vector<16xf32>
        %add3A_460 = arith.addf %add3A_458, %mul3A_459 : vector<16xf32>
        %mul3A_461 = arith.mulf %bitcast_convert_type3A_454, %get3A_375 : vector<16xf32>
        %add3A_462 = arith.addf %add3A_448, %mul3A_461 : vector<16xf32>
        %mul3A_463 = arith.mulf %bitcast_convert_type3A_456, %get3A_385 : vector<16xf32>
        %add3A_464 = arith.addf %add3A_462, %mul3A_463 : vector<16xf32>
        %swap3A = arith.index_cast %scan3A_394 : i32 to index
        %swap3A_465 = arith.constant 0 : index
        %swap3A_466 = tpu.vector_load %arg10[%swap3A, %swap3A_465] {strides = array<i32>} : memref<128x32xf32, #tpu.memory_space<vmem>>, vector<1x16xf32>,
        %swap3A_467 = vector.shape_cast %swap3A_466 : vector<1x16xf32> to vector<16xf32>
        %swap3A_468 = vector.shape_cast %add3A_460 : vector<16xf32> to vector<1x16xf32>
        tpu.vector_store %arg10[%swap3A, %swap3A_465], %swap3A_468 {strides = array<i32>} : memref<128x32xf32, #tpu.memory_space<vmem>>, vector<1x16xf32>,
        %swap3A_469 = arith.index_cast %scan3A_394 : i32 to index
        %swap3A_470 = arith.constant 16 : index
        %swap3A_471 = tpu.vector_load %arg10[%swap3A_469, %swap3A_470] {strides = array<i32>} : memref<128x32xf32, #tpu.memory_space<vmem>>, vector<1x16xf32>,
        %swap3A_472 = vector.shape_cast %swap3A_471 : vector<1x16xf32> to vector<16xf32>
        %swap3A_473 = vector.shape_cast %add3A_464 : vector<16xf32> to vector<1x16xf32>
        tpu.vector_store %arg10[%swap3A_469, %swap3A_470], %swap3A_473 {strides = array<i32>} : memref<128x32xf32, #tpu.memory_space<vmem>>, vector<1x16xf32>,
        %scan3A_474 = arith.constant 0 : i32
        %scan3A_475 = arith.constant 1 : i32
        %scan3A_476 = arith.addi %scan3A_394, %scan3A_475 : i32
        %get3A_477 = arith.index_cast %scan3A_476 : i32 to index
        %get3A_478 = arith.constant 0 : index
        %get3A_479 = tpu.vector_load %arg10[%get3A_477, %get3A_478] {strides = array<i32>} : memref<128x32xf32, #tpu.memory_space<vmem>>, vector<1x16xf32>,
        %get3A_480 = vector.shape_cast %get3A_479 : vector<1x16xf32> to vector<16xf32>
        %get3A_481 = arith.index_cast %scan3A_476 : i32 to index
        %get3A_482 = arith.constant 16 : index
        %get3A_483 = tpu.vector_load %arg10[%get3A_481, %get3A_482] {strides = array<i32>} : memref<128x32xf32, #tpu.memory_space<vmem>>, vector<1x16xf32>,
        %get3A_484 = vector.shape_cast %get3A_483 : vector<1x16xf32> to vector<16xf32>
        %get3A_485 = arith.index_cast %scan3A_476 : i32 to index
        %get3A_486 = arith.constant 0 : index
        %get3A_487 = tpu.vector_load %arg9[%get3A_485, %get3A_486] {strides = array<i32>} : memref<128x64xi32, #tpu.memory_space<vmem>>, vector<1x16xi32>,
        %get3A_488 = vector.shape_cast %get3A_487 : vector<1x16xi32> to vector<16xi32>
        %shift_left3A_489 = arith.shli %get3A_488, %broadcast_in_dim3A_8 : vector<16xi32>
        %bitcast_convert_type3A_490 = tpu.bitcast %shift_left3A_489 : vector<16xi32> -> vector<16xf32>
        %and3A_491 = arith.andi %get3A_488, %broadcast_in_dim3A_10 : vector<16xi32>
        %bitcast_convert_type3A_492 = tpu.bitcast %and3A_491 : vector<16xi32> -> vector<16xf32>
        %mul3A_493 = arith.mulf %bitcast_convert_type3A_490, %get3A_235 : vector<16xf32>
        %add3A_494 = arith.addf %get3A_480, %mul3A_493 : vector<16xf32>
        %mul3A_495 = arith.mulf %bitcast_convert_type3A_492, %get3A_245 : vector<16xf32>
        %add3A_496 = arith.addf %add3A_494, %mul3A_495 : vector<16xf32>
        %mul3A_497 = arith.mulf %bitcast_convert_type3A_490, %get3A_315 : vector<16xf32>
        %add3A_498 = arith.addf %get3A_484, %mul3A_497 : vector<16xf32>
        %mul3A_499 = arith.mulf %bitcast_convert_type3A_492, %get3A_325 : vector<16xf32>
        %add3A_500 = arith.addf %add3A_498, %mul3A_499 : vector<16xf32>
        %get3A_501 = arith.index_cast %scan3A_476 : i32 to index
        %get3A_502 = arith.constant 16 : index
        %get3A_503 = tpu.vector_load %arg9[%get3A_501, %get3A_502] {strides = array<i32>} : memref<128x64xi32, #tpu.memory_space<vmem>>, vector<1x16xi32>,
        %get3A_504 = vector.shape_cast %get3A_503 : vector<1x16xi32> to vector<16xi32>
        %shift_left3A_505 = arith.shli %get3A_504, %broadcast_in_dim3A_8 : vector<16xi32>
        %bitcast_convert_type3A_506 = tpu.bitcast %shift_left3A_505 : vector<16xi32> -> vector<16xf32>
        %and3A_507 = arith.andi %get3A_504, %broadcast_in_dim3A_10 : vector<16xi32>
        %bitcast_convert_type3A_508 = tpu.bitcast %and3A_507 : vector<16xi32> -> vector<16xf32>
        %mul3A_509 = arith.mulf %bitcast_convert_type3A_506, %get3A_255 : vector<16xf32>
        %add3A_510 = arith.addf %add3A_496, %mul3A_509 : vector<16xf32>
        %mul3A_511 = arith.mulf %bitcast_convert_type3A_508, %get3A_265 : vector<16xf32>
        %add3A_512 = arith.addf %add3A_510, %mul3A_511 : vector<16xf32>
        %mul3A_513 = arith.mulf %bitcast_convert_type3A_506, %get3A_335 : vector<16xf32>
        %add3A_514 = arith.addf %add3A_500, %mul3A_513 : vector<16xf32>
        %mul3A_515 = arith.mulf %bitcast_convert_type3A_508, %get3A_345 : vector<16xf32>
        %add3A_516 = arith.addf %add3A_514, %mul3A_515 : vector<16xf32>
        %get3A_517 = arith.index_cast %scan3A_476 : i32 to index
        %get3A_518 = arith.constant 32 : index
        %get3A_519 = tpu.vector_load %arg9[%get3A_517, %get3A_518] {strides = array<i32>} : memref<128x64xi32, #tpu.memory_space<vmem>>, vector<1x16xi32>,
        %get3A_520 = vector.shape_cast %get3A_519 : vector<1x16xi32> to vector<16xi32>
        %shift_left3A_521 = arith.shli %get3A_520, %broadcast_in_dim3A_8 : vector<16xi32>
        %bitcast_convert_type3A_522 = tpu.bitcast %shift_left3A_521 : vector<16xi32> -> vector<16xf32>
        %and3A_523 = arith.andi %get3A_520, %broadcast_in_dim3A_10 : vector<16xi32>
        %bitcast_convert_type3A_524 = tpu.bitcast %and3A_523 : vector<16xi32> -> vector<16xf32>
        %mul3A_525 = arith.mulf %bitcast_convert_type3A_522, %get3A_275 : vector<16xf32>
        %add3A_526 = arith.addf %add3A_512, %mul3A_525 : vector<16xf32>
        %mul3A_527 = arith.mulf %bitcast_convert_type3A_524, %get3A_285 : vector<16xf32>
        %add3A_528 = arith.addf %add3A_526, %mul3A_527 : vector<16xf32>
        %mul3A_529 = arith.mulf %bitcast_convert_type3A_522, %get3A_355 : vector<16xf32>
        %add3A_530 = arith.addf %add3A_516, %mul3A_529 : vector<16xf32>
        %mul3A_531 = arith.mulf %bitcast_convert_type3A_524, %get3A_365 : vector<16xf32>
        %add3A_532 = arith.addf %add3A_530, %mul3A_531 : vector<16xf32>
        %get3A_533 = arith.index_cast %scan3A_476 : i32 to index
        %get3A_534 = arith.constant 48 : index
        %get3A_535 = tpu.vector_load %arg9[%get3A_533, %get3A_534] {strides = array<i32>} : memref<128x64xi32, #tpu.memory_space<vmem>>, vector<1x16xi32>,
        %get3A_536 = vector.shape_cast %get3A_535 : vector<1x16xi32> to vector<16xi32>
        %shift_left3A_537 = arith.shli %get3A_536, %broadcast_in_dim3A_8 : vector<16xi32>
        %bitcast_convert_type3A_538 = tpu.bitcast %shift_left3A_537 : vector<16xi32> -> vector<16xf32>
        %and3A_539 = arith.andi %get3A_536, %broadcast_in_dim3A_10 : vector<16xi32>
        %bitcast_convert_type3A_540 = tpu.bitcast %and3A_539 : vector<16xi32> -> vector<16xf32>
        %mul3A_541 = arith.mulf %bitcast_convert_type3A_538, %get3A_295 : vector<16xf32>
        %add3A_542 = arith.addf %add3A_528, %mul3A_541 : vector<16xf32>
        %mul3A_543 = arith.mulf %bitcast_convert_type3A_540, %get3A_305 : vector<16xf32>
        %add3A_544 = arith.addf %add3A_542, %mul3A_543 : vector<16xf32>
        %mul3A_545 = arith.mulf %bitcast_convert_type3A_538, %get3A_375 : vector<16xf32>
        %add3A_546 = arith.addf %add3A_532, %mul3A_545 : vector<16xf32>
        %mul3A_547 = arith.mulf %bitcast_convert_type3A_540, %get3A_385 : vector<16xf32>
        %add3A_548 = arith.addf %add3A_546, %mul3A_547 : vector<16xf32>
        %swap3A_549 = arith.index_cast %scan3A_476 : i32 to index
        %swap3A_550 = arith.constant 0 : index
        %swap3A_551 = tpu.vector_load %arg10[%swap3A_549, %swap3A_550] {strides = array<i32>} : memref<128x32xf32, #tpu.memory_space<vmem>>, vector<1x16xf32>,
        %swap3A_552 = vector.shape_cast %swap3A_551 : vector<1x16xf32> to vector<16xf32>
        %swap3A_553 = vector.shape_cast %add3A_544 : vector<16xf32> to vector<1x16xf32>
        tpu.vector_store %arg10[%swap3A_549, %swap3A_550], %swap3A_553 {strides = array<i32>} : memref<128x32xf32, #tpu.memory_space<vmem>>, vector<1x16xf32>,
        %swap3A_554 = arith.index_cast %scan3A_476 : i32 to index
        %swap3A_555 = arith.constant 16 : index
        %swap3A_556 = tpu.vector_load %arg10[%swap3A_554, %swap3A_555] {strides = array<i32>} : memref<128x32xf32, #tpu.memory_space<vmem>>, vector<1x16xf32>,
        %swap3A_557 = vector.shape_cast %swap3A_556 : vector<1x16xf32> to vector<16xf32>
        %swap3A_558 = vector.shape_cast %add3A_548 : vector<16xf32> to vector<1x16xf32>
        tpu.vector_store %arg10[%swap3A_554, %swap3A_555], %swap3A_558 {strides = array<i32>} : memref<128x32xf32, #tpu.memory_space<vmem>>, vector<1x16xf32>,
        %scan3A_559 = arith.constant 0 : i32
        %scan3A_560 = arith.constant 2 : i32
        %scan3A_561 = arith.addi %scan3A_394, %scan3A_560 : i32
        %get3A_562 = arith.index_cast %scan3A_561 : i32 to index
        %get3A_563 = arith.constant 0 : index
        %get3A_564 = tpu.vector_load %arg10[%get3A_562, %get3A_563] {strides = array<i32>} : memref<128x32xf32, #tpu.memory_space<vmem>>, vector<1x16xf32>,
        %get3A_565 = vector.shape_cast %get3A_564 : vector<1x16xf32> to vector<16xf32>
        %get3A_566 = arith.index_cast %scan3A_561 : i32 to index
        %get3A_567 = arith.constant 16 : index
        %get3A_568 = tpu.vector_load %arg10[%get3A_566, %get3A_567] {strides = array<i32>} : memref<128x32xf32, #tpu.memory_space<vmem>>, vector<1x16xf32>,
        %get3A_569 = vector.shape_cast %get3A_568 : vector<1x16xf32> to vector<16xf32>
        %get3A_570 = arith.index_cast %scan3A_561 : i32 to index
        %get3A_571 = arith.constant 0 : index
        %get3A_572 = tpu.vector_load %arg9[%get3A_570, %get3A_571] {strides = array<i32>} : memref<128x64xi32, #tpu.memory_space<vmem>>, vector<1x16xi32>,
        %get3A_573 = vector.shape_cast %get3A_572 : vector<1x16xi32> to vector<16xi32>
        %shift_left3A_574 = arith.shli %get3A_573, %broadcast_in_dim3A_8 : vector<16xi32>
        %bitcast_convert_type3A_575 = tpu.bitcast %shift_left3A_574 : vector<16xi32> -> vector<16xf32>
        %and3A_576 = arith.andi %get3A_573, %broadcast_in_dim3A_10 : vector<16xi32>
        %bitcast_convert_type3A_577 = tpu.bitcast %and3A_576 : vector<16xi32> -> vector<16xf32>
        %mul3A_578 = arith.mulf %bitcast_convert_type3A_575, %get3A_235 : vector<16xf32>
        %add3A_579 = arith.addf %get3A_565, %mul3A_578 : vector<16xf32>
        %mul3A_580 = arith.mulf %bitcast_convert_type3A_577, %get3A_245 : vector<16xf32>
        %add3A_581 = arith.addf %add3A_579, %mul3A_580 : vector<16xf32>
        %mul3A_582 = arith.mulf %bitcast_convert_type3A_575, %get3A_315 : vector<16xf32>
        %add3A_583 = arith.addf %get3A_569, %mul3A_582 : vector<16xf32>
        %mul3A_584 = arith.mulf %bitcast_convert_type3A_577, %get3A_325 : vector<16xf32>
        %add3A_585 = arith.addf %add3A_583, %mul3A_584 : vector<16xf32>
        %get3A_586 = arith.index_cast %scan3A_561 : i32 to index
        %get3A_587 = arith.constant 16 : index
        %get3A_588 = tpu.vector_load %arg9[%get3A_586, %get3A_587] {strides = array<i32>} : memref<128x64xi32, #tpu.memory_space<vmem>>, vector<1x16xi32>,
        %get3A_589 = vector.shape_cast %get3A_588 : vector<1x16xi32> to vector<16xi32>
        %shift_left3A_590 = arith.shli %get3A_589, %broadcast_in_dim3A_8 : vector<16xi32>
        %bitcast_convert_type3A_591 = tpu.bitcast %shift_left3A_590 : vector<16xi32> -> vector<16xf32>
        %and3A_592 = arith.andi %get3A_589, %broadcast_in_dim3A_10 : vector<16xi32>
        %bitcast_convert_type3A_593 = tpu.bitcast %and3A_592 : vector<16xi32> -> vector<16xf32>
        %mul3A_594 = arith.mulf %bitcast_convert_type3A_591, %get3A_255 : vector<16xf32>
        %add3A_595 = arith.addf %add3A_581, %mul3A_594 : vector<16xf32>
        %mul3A_596 = arith.mulf %bitcast_convert_type3A_593, %get3A_265 : vector<16xf32>
        %add3A_597 = arith.addf %add3A_595, %mul3A_596 : vector<16xf32>
        %mul3A_598 = arith.mulf %bitcast_convert_type3A_591, %get3A_335 : vector<16xf32>
        %add3A_599 = arith.addf %add3A_585, %mul3A_598 : vector<16xf32>
        %mul3A_600 = arith.mulf %bitcast_convert_type3A_593, %get3A_345 : vector<16xf32>
        %add3A_601 = arith.addf %add3A_599, %mul3A_600 : vector<16xf32>
        %get3A_602 = arith.index_cast %scan3A_561 : i32 to index
        %get3A_603 = arith.constant 32 : index
        %get3A_604 = tpu.vector_load %arg9[%get3A_602, %get3A_603] {strides = array<i32>} : memref<128x64xi32, #tpu.memory_space<vmem>>, vector<1x16xi32>,
        %get3A_605 = vector.shape_cast %get3A_604 : vector<1x16xi32> to vector<16xi32>
        %shift_left3A_606 = arith.shli %get3A_605, %broadcast_in_dim3A_8 : vector<16xi32>
        %bitcast_convert_type3A_607 = tpu.bitcast %shift_left3A_606 : vector<16xi32> -> vector<16xf32>
        %and3A_608 = arith.andi %get3A_605, %broadcast_in_dim3A_10 : vector<16xi32>
        %bitcast_convert_type3A_609 = tpu.bitcast %and3A_608 : vector<16xi32> -> vector<16xf32>
        %mul3A_610 = arith.mulf %bitcast_convert_type3A_607, %get3A_275 : vector<16xf32>
        %add3A_611 = arith.addf %add3A_597, %mul3A_610 : vector<16xf32>
        %mul3A_612 = arith.mulf %bitcast_convert_type3A_609, %get3A_285 : vector<16xf32>
        %add3A_613 = arith.addf %add3A_611, %mul3A_612 : vector<16xf32>
        %mul3A_614 = arith.mulf %bitcast_convert_type3A_607, %get3A_355 : vector<16xf32>
        %add3A_615 = arith.addf %add3A_601, %mul3A_614 : vector<16xf32>
        %mul3A_616 = arith.mulf %bitcast_convert_type3A_609, %get3A_365 : vector<16xf32>
        %add3A_617 = arith.addf %add3A_615, %mul3A_616 : vector<16xf32>
        %get3A_618 = arith.index_cast %scan3A_561 : i32 to index
        %get3A_619 = arith.constant 48 : index
        %get3A_620 = tpu.vector_load %arg9[%get3A_618, %get3A_619] {strides = array<i32>} : memref<128x64xi32, #tpu.memory_space<vmem>>, vector<1x16xi32>,
        %get3A_621 = vector.shape_cast %get3A_620 : vector<1x16xi32> to vector<16xi32>
        %shift_left3A_622 = arith.shli %get3A_621, %broadcast_in_dim3A_8 : vector<16xi32>
        %bitcast_convert_type3A_623 = tpu.bitcast %shift_left3A_622 : vector<16xi32> -> vector<16xf32>
        %and3A_624 = arith.andi %get3A_621, %broadcast_in_dim3A_10 : vector<16xi32>
        %bitcast_convert_type3A_625 = tpu.bitcast %and3A_624 : vector<16xi32> -> vector<16xf32>
        %mul3A_626 = arith.mulf %bitcast_convert_type3A_623, %get3A_295 : vector<16xf32>
        %add3A_627 = arith.addf %add3A_613, %mul3A_626 : vector<16xf32>
        %mul3A_628 = arith.mulf %bitcast_convert_type3A_625, %get3A_305 : vector<16xf32>
        %add3A_629 = arith.addf %add3A_627, %mul3A_628 : vector<16xf32>
        %mul3A_630 = arith.mulf %bitcast_convert_type3A_623, %get3A_375 : vector<16xf32>
        %add3A_631 = arith.addf %add3A_617, %mul3A_630 : vector<16xf32>
        %mul3A_632 = arith.mulf %bitcast_convert_type3A_625, %get3A_385 : vector<16xf32>
        %add3A_633 = arith.addf %add3A_631, %mul3A_632 : vector<16xf32>
        %swap3A_634 = arith.index_cast %scan3A_561 : i32 to index
        %swap3A_635 = arith.constant 0 : index
        %swap3A_636 = tpu.vector_load %arg10[%swap3A_634, %swap3A_635] {strides = array<i32>} : memref<128x32xf32, #tpu.memory_space<vmem>>, vector<1x16xf32>,
        %swap3A_637 = vector.shape_cast %swap3A_636 : vector<1x16xf32> to vector<16xf32>
        %swap3A_638 = vector.shape_cast %add3A_629 : vector<16xf32> to vector<1x16xf32>
        tpu.vector_store %arg10[%swap3A_634, %swap3A_635], %swap3A_638 {strides = array<i32>} : memref<128x32xf32, #tpu.memory_space<vmem>>, vector<1x16xf32>,
        %swap3A_639 = arith.index_cast %scan3A_561 : i32 to index
        %swap3A_640 = arith.constant 16 : index
        %swap3A_641 = tpu.vector_load %arg10[%swap3A_639, %swap3A_640] {strides = array<i32>} : memref<128x32xf32, #tpu.memory_space<vmem>>, vector<1x16xf32>,
        %swap3A_642 = vector.shape_cast %swap3A_641 : vector<1x16xf32> to vector<16xf32>
        %swap3A_643 = vector.shape_cast %add3A_633 : vector<16xf32> to vector<1x16xf32>
        tpu.vector_store %arg10[%swap3A_639, %swap3A_640], %swap3A_643 {strides = array<i32>} : memref<128x32xf32, #tpu.memory_space<vmem>>, vector<1x16xf32>,
        %scan3A_644 = arith.constant 0 : i32
        %scan3A_645 = arith.constant 3 : i32
        %scan3A_646 = arith.addi %scan3A_394, %scan3A_645 : i32
        %get3A_647 = arith.index_cast %scan3A_646 : i32 to index
        %get3A_648 = arith.constant 0 : index
        %get3A_649 = tpu.vector_load %arg10[%get3A_647, %get3A_648] {strides = array<i32>} : memref<128x32xf32, #tpu.memory_space<vmem>>, vector<1x16xf32>,
        %get3A_650 = vector.shape_cast %get3A_649 : vector<1x16xf32> to vector<16xf32>
        %get3A_651 = arith.index_cast %scan3A_646 : i32 to index
        %get3A_652 = arith.constant 16 : index
        %get3A_653 = tpu.vector_load %arg10[%get3A_651, %get3A_652] {strides = array<i32>} : memref<128x32xf32, #tpu.memory_space<vmem>>, vector<1x16xf32>,
        %get3A_654 = vector.shape_cast %get3A_653 : vector<1x16xf32> to vector<16xf32>
        %get3A_655 = arith.index_cast %scan3A_646 : i32 to index
        %get3A_656 = arith.constant 0 : index
        %get3A_657 = tpu.vector_load %arg9[%get3A_655, %get3A_656] {strides = array<i32>} : memref<128x64xi32, #tpu.memory_space<vmem>>, vector<1x16xi32>,
        %get3A_658 = vector.shape_cast %get3A_657 : vector<1x16xi32> to vector<16xi32>
        %shift_left3A_659 = arith.shli %get3A_658, %broadcast_in_dim3A_8 : vector<16xi32>
        %bitcast_convert_type3A_660 = tpu.bitcast %shift_left3A_659 : vector<16xi32> -> vector<16xf32>
        %and3A_661 = arith.andi %get3A_658, %broadcast_in_dim3A_10 : vector<16xi32>
        %bitcast_convert_type3A_662 = tpu.bitcast %and3A_661 : vector<16xi32> -> vector<16xf32>
        %mul3A_663 = arith.mulf %bitcast_convert_type3A_660, %get3A_235 : vector<16xf32>
        %add3A_664 = arith.addf %get3A_650, %mul3A_663 : vector<16xf32>
        %mul3A_665 = arith.mulf %bitcast_convert_type3A_662, %get3A_245 : vector<16xf32>
        %add3A_666 = arith.addf %add3A_664, %mul3A_665 : vector<16xf32>
        %mul3A_667 = arith.mulf %bitcast_convert_type3A_660, %get3A_315 : vector<16xf32>
        %add3A_668 = arith.addf %get3A_654, %mul3A_667 : vector<16xf32>
        %mul3A_669 = arith.mulf %bitcast_convert_type3A_662, %get3A_325 : vector<16xf32>
        %add3A_670 = arith.addf %add3A_668, %mul3A_669 : vector<16xf32>
        %get3A_671 = arith.index_cast %scan3A_646 : i32 to index
        %get3A_672 = arith.constant 16 : index
        %get3A_673 = tpu.vector_load %arg9[%get3A_671, %get3A_672] {strides = array<i32>} : memref<128x64xi32, #tpu.memory_space<vmem>>, vector<1x16xi32>,
        %get3A_674 = vector.shape_cast %get3A_673 : vector<1x16xi32> to vector<16xi32>
        %shift_left3A_675 = arith.shli %get3A_674, %broadcast_in_dim3A_8 : vector<16xi32>
        %bitcast_convert_type3A_676 = tpu.bitcast %shift_left3A_675 : vector<16xi32> -> vector<16xf32>
        %and3A_677 = arith.andi %get3A_674, %broadcast_in_dim3A_10 : vector<16xi32>
        %bitcast_convert_type3A_678 = tpu.bitcast %and3A_677 : vector<16xi32> -> vector<16xf32>
        %mul3A_679 = arith.mulf %bitcast_convert_type3A_676, %get3A_255 : vector<16xf32>
        %add3A_680 = arith.addf %add3A_666, %mul3A_679 : vector<16xf32>
        %mul3A_681 = arith.mulf %bitcast_convert_type3A_678, %get3A_265 : vector<16xf32>
        %add3A_682 = arith.addf %add3A_680, %mul3A_681 : vector<16xf32>
        %mul3A_683 = arith.mulf %bitcast_convert_type3A_676, %get3A_335 : vector<16xf32>
        %add3A_684 = arith.addf %add3A_670, %mul3A_683 : vector<16xf32>
        %mul3A_685 = arith.mulf %bitcast_convert_type3A_678, %get3A_345 : vector<16xf32>
        %add3A_686 = arith.addf %add3A_684, %mul3A_685 : vector<16xf32>
        %get3A_687 = arith.index_cast %scan3A_646 : i32 to index
        %get3A_688 = arith.constant 32 : index
        %get3A_689 = tpu.vector_load %arg9[%get3A_687, %get3A_688] {strides = array<i32>} : memref<128x64xi32, #tpu.memory_space<vmem>>, vector<1x16xi32>,
        %get3A_690 = vector.shape_cast %get3A_689 : vector<1x16xi32> to vector<16xi32>
        %shift_left3A_691 = arith.shli %get3A_690, %broadcast_in_dim3A_8 : vector<16xi32>
        %bitcast_convert_type3A_692 = tpu.bitcast %shift_left3A_691 : vector<16xi32> -> vector<16xf32>
        %and3A_693 = arith.andi %get3A_690, %broadcast_in_dim3A_10 : vector<16xi32>
        %bitcast_convert_type3A_694 = tpu.bitcast %and3A_693 : vector<16xi32> -> vector<16xf32>
        %mul3A_695 = arith.mulf %bitcast_convert_type3A_692, %get3A_275 : vector<16xf32>
        %add3A_696 = arith.addf %add3A_682, %mul3A_695 : vector<16xf32>
        %mul3A_697 = arith.mulf %bitcast_convert_type3A_694, %get3A_285 : vector<16xf32>
        %add3A_698 = arith.addf %add3A_696, %mul3A_697 : vector<16xf32>
        %mul3A_699 = arith.mulf %bitcast_convert_type3A_692, %get3A_355 : vector<16xf32>
        %add3A_700 = arith.addf %add3A_686, %mul3A_699 : vector<16xf32>
        %mul3A_701 = arith.mulf %bitcast_convert_type3A_694, %get3A_365 : vector<16xf32>
        %add3A_702 = arith.addf %add3A_700, %mul3A_701 : vector<16xf32>
        %get3A_703 = arith.index_cast %scan3A_646 : i32 to index
        %get3A_704 = arith.constant 48 : index
        %get3A_705 = tpu.vector_load %arg9[%get3A_703, %get3A_704] {strides = array<i32>} : memref<128x64xi32, #tpu.memory_space<vmem>>, vector<1x16xi32>,
        %get3A_706 = vector.shape_cast %get3A_705 : vector<1x16xi32> to vector<16xi32>
        %shift_left3A_707 = arith.shli %get3A_706, %broadcast_in_dim3A_8 : vector<16xi32>
        %bitcast_convert_type3A_708 = tpu.bitcast %shift_left3A_707 : vector<16xi32> -> vector<16xf32>
        %and3A_709 = arith.andi %get3A_706, %broadcast_in_dim3A_10 : vector<16xi32>
        %bitcast_convert_type3A_710 = tpu.bitcast %and3A_709 : vector<16xi32> -> vector<16xf32>
        %mul3A_711 = arith.mulf %bitcast_convert_type3A_708, %get3A_295 : vector<16xf32>
        %add3A_712 = arith.addf %add3A_698, %mul3A_711 : vector<16xf32>
        %mul3A_713 = arith.mulf %bitcast_convert_type3A_710, %get3A_305 : vector<16xf32>
        %add3A_714 = arith.addf %add3A_712, %mul3A_713 : vector<16xf32>
        %mul3A_715 = arith.mulf %bitcast_convert_type3A_708, %get3A_375 : vector<16xf32>
        %add3A_716 = arith.addf %add3A_702, %mul3A_715 : vector<16xf32>
        %mul3A_717 = arith.mulf %bitcast_convert_type3A_710, %get3A_385 : vector<16xf32>
        %add3A_718 = arith.addf %add3A_716, %mul3A_717 : vector<16xf32>
        %swap3A_719 = arith.index_cast %scan3A_646 : i32 to index
        %swap3A_720 = arith.constant 0 : index
        %swap3A_721 = tpu.vector_load %arg10[%swap3A_719, %swap3A_720] {strides = array<i32>} : memref<128x32xf32, #tpu.memory_space<vmem>>, vector<1x16xf32>,
        %swap3A_722 = vector.shape_cast %swap3A_721 : vector<1x16xf32> to vector<16xf32>
        %swap3A_723 = vector.shape_cast %add3A_714 : vector<16xf32> to vector<1x16xf32>
        tpu.vector_store %arg10[%swap3A_719, %swap3A_720], %swap3A_723 {strides = array<i32>} : memref<128x32xf32, #tpu.memory_space<vmem>>, vector<1x16xf32>,
        %swap3A_724 = arith.index_cast %scan3A_646 : i32 to index
        %swap3A_725 = arith.constant 16 : index
        %swap3A_726 = tpu.vector_load %arg10[%swap3A_724, %swap3A_725] {strides = array<i32>} : memref<128x32xf32, #tpu.memory_space<vmem>>, vector<1x16xf32>,
        %swap3A_727 = vector.shape_cast %swap3A_726 : vector<1x16xf32> to vector<16xf32>
        %swap3A_728 = vector.shape_cast %add3A_718 : vector<16xf32> to vector<1x16xf32>
        tpu.vector_store %arg10[%swap3A_724, %swap3A_725], %swap3A_728 {strides = array<i32>} : memref<128x32xf32, #tpu.memory_space<vmem>>, vector<1x16xf32>,
        %scan3A_729 = arith.constant 0 : i32
        scf.yield %scan3A_729 : i32
      }
      %scan3A_392 = arith.constant 128 : i32
      %scan3A_393 = arith.constant 0 : i32
      scf.yield %scan3A_393 : i32
    }
    %scan3A_33 = arith.constant 130 : i32
    "tpu.region"() ({
      %run_scoped3A = tpu.sem_alloc : memref<!tpu.dma_semaphore, #tpu.memory_space<semaphore_mem>>
      %dma_start3A_34 = arith.constant 0 : i32
      %dma_start3A_35 = tpu.memref_slice %arg5[%mul3A_2, %dma_start3A_34] : memref<4096x32xf32, #tpu.memory_space<hbm>> -> memref<128x32xf32, #tpu.memory_space<hbm>>
      %dma_start3A_36 = arith.constant 0 : i32
      %dma_start3A_37 = tpu.memref_slice %arg5[%mul3A_2, %dma_start3A_36] : memref<4096x32xf32, #tpu.memory_space<hbm>> -> memref<128x32xf32, #tpu.memory_space<hbm>>
      tpu.enqueue_dma source(%arg10 : memref<128x32xf32, #tpu.memory_space<vmem>>) target(%dma_start3A_37 : memref<128x32xf32, #tpu.memory_space<hbm>>) target_semaphore(%run_scoped3A : memref<!tpu.dma_semaphore, #tpu.memory_space<semaphore_mem>>)
      %dma_wait3A_38 = arith.constant 0 : i32
      %dma_wait3A_39 = tpu.memref_slice %arg5[%mul3A_2, %dma_wait3A_38] : memref<4096x32xf32, #tpu.memory_space<hbm>> -> memref<128x32xf32, #tpu.memory_space<hbm>>
      %dma_wait3A_40 = arith.constant 0 : i32
      %dma_wait3A_41 = tpu.memref_slice %arg5[%mul3A_2, %dma_wait3A_40] : memref<4096x32xf32, #tpu.memory_space<hbm>> -> memref<128x32xf32, #tpu.memory_space<hbm>>
      tpu.wait_dma2 semaphore(%run_scoped3A : memref<!tpu.dma_semaphore, #tpu.memory_space<semaphore_mem>>) src(%arg10 : memref<128x32xf32, #tpu.memory_space<vmem>>) dst(%dma_wait3A_41 : memref<128x32xf32, #tpu.memory_space<hbm>>)
      tpu.yield
    }) : () -> ()
    return
  }
}

module attributes {stable_mosaic.version = 14 : i64} {
  func.func @_tc_epilogue(%arg0: i32, %arg1: memref<2xf32, #tpu.memory_space<smem>>, %arg2: memref<512x32xf32, #tpu.memory_space<vmem>>, %arg3: memref<512x2xf32, #tpu.memory_space<vmem>>) attributes {dimension_semantics = [#tpu.dimension_semantics<arbitrary>], iteration_bounds = array<i64: 8>, scalar_prefetch = 0 : i64, scratch_operands = 0 : i64, tpu.core_type = #tpu.core_type<tc>, window_params = [{transform_indices = @transform_0, window_bounds = array<i64: 2>}, {transform_indices = @transform_1, window_bounds = array<i64: 512, 32>}, {transform_indices = @transform_2, window_bounds = array<i64: 512, 2>}]} {
    %get3A = arith.constant 0 : index
    %get3A_0 = arith.constant 0 : index
    %get3A_1 = vector.load %arg2[%get3A, %get3A_0] : memref<512x32xf32, #tpu.memory_space<vmem>>, vector<512x32xf32>
    %slice3A = vector.extract_strided_slice %get3A_1 {offsets = [0, 0], sizes = [512, 16], strides = [1, 1]} : vector<512x32xf32> to vector<512x16xf32>
    %reduce_sum3A = arith.constant dense<0.000000e+00> : vector<512xf32>
    %reduce_sum3A_2 = vector.multi_reduction <add>, %slice3A, %reduce_sum3A [1] : vector<512x16xf32> to vector<512xf32>
    %get3A_3 = arith.constant 0 : index
    %get3A_4 = memref.load %arg1[%get3A_3] : memref<2xf32, #tpu.memory_space<smem>>
    %add3A = vector.broadcast %get3A_4 : f32 to vector<512xf32>
    %add3A_5 = arith.addf %reduce_sum3A_2, %add3A : vector<512xf32>
    %slice3A_6 = vector.extract_strided_slice %get3A_1 {offsets = [0, 16], sizes = [512, 16], strides = [1, 1]} : vector<512x32xf32> to vector<512x16xf32>
    %reduce_sum3A_7 = arith.constant dense<0.000000e+00> : vector<512xf32>
    %reduce_sum3A_8 = vector.multi_reduction <add>, %slice3A_6, %reduce_sum3A_7 [1] : vector<512x16xf32> to vector<512xf32>
    %get3A_9 = arith.constant 1 : index
    %get3A_10 = memref.load %arg1[%get3A_9] : memref<2xf32, #tpu.memory_space<smem>>
    %add3A_11 = vector.broadcast %get3A_10 : f32 to vector<512xf32>
    %add3A_12 = arith.addf %reduce_sum3A_8, %add3A_11 : vector<512xf32>
    %max3A = arith.maximumf %add3A_5, %add3A_12 : vector<512xf32>
    %sub3A = arith.subf %add3A_5, %max3A : vector<512xf32>
    %exp3A = math.exp %sub3A : vector<512xf32>
    %sub3A_13 = arith.subf %add3A_12, %max3A : vector<512xf32>
    %exp3A_14 = math.exp %sub3A_13 : vector<512xf32>
    %add3A_15 = arith.addf %exp3A, %exp3A_14 : vector<512xf32>
    %log3A = math.log %add3A_15 : vector<512xf32>
    %add3A_16 = arith.addf %max3A, %log3A : vector<512xf32>
    %sub3A_17 = arith.subf %add3A_5, %add3A_16 : vector<512xf32>
    %broadcast_in_dim3A = vector.shape_cast %sub3A_17 : vector<512xf32> to vector<512x1xf32>
    %sub3A_18 = arith.subf %add3A_12, %add3A_16 : vector<512xf32>
    %broadcast_in_dim3A_19 = vector.shape_cast %sub3A_18 : vector<512xf32> to vector<512x1xf32>
    %concatenate3A = tpu.concatenate %broadcast_in_dim3A, %broadcast_in_dim3A_19 in 1 : vector<512x1xf32>, vector<512x1xf32> -> vector<512x2xf32>
    %swap3A = arith.constant 0 : index
    %swap3A_20 = arith.constant 0 : index
    %swap3A_21 = vector.load %arg3[%swap3A, %swap3A_20] : memref<512x2xf32, #tpu.memory_space<vmem>>, vector<512x2xf32>
    tpu.vector_store %arg3[%swap3A, %swap3A_20], %concatenate3A {strides = array<i32>} : memref<512x2xf32, #tpu.memory_space<vmem>>, vector<512x2xf32>,
    return
  }
  func.func @transform_0(%arg0: i32) -> i32 {
    %c0_i32 = arith.constant 0 : i32
    %c0_i32_0 = arith.constant 0 : i32
    return %c0_i32 : i32
  }
  func.func @transform_1(%arg0: i32) -> (i32, i32) {
    %c0_i32 = arith.constant 0 : i32
    %c0_i32_0 = arith.constant 0 : i32
    return %arg0, %c0_i32 : i32, i32
  }
  func.func @transform_2(%arg0: i32) -> (i32, i32) {
    %c0_i32 = arith.constant 0 : i32
    %c0_i32_0 = arith.constant 0 : i32
    return %arg0, %c0_i32 : i32, i32
  }
}

</mosaic_0001>

<sc_bundles>
// kernel: kernel.4.cloned.1.call-start
scs
__scs_entry_jumppad:
0x0: {  	(pc) =	sbr.rel $0x88, $3  }
0x1: {  	(tag) =	ssettag $0x0;
	lr =	simm.s32 $0x1  }
0x2: {  	[smem:$0x3F9D] =	sst lr;
	_ =	strace $0xD0000000  }
0x3: {  	_ = 	snop  }
0x4: {  	_ = 	snop  }
0x5: {  	_ = 	snop  }
0x6: {  	_ = 	snop  }
0x7: {  	_ = 	snop  }
__scs_overlays_trampoline_lowered:
0x8: {  	[smem:$0x3FAC] =	sst s0  }
0x9: {  	[smem:$0x3FAD] =	sst s1  }
0xa: {  	[smem:$0x3FAE] =	sst s2  }
0xb: {  	[smem:$0x3FAF] =	sst s3  }
0xc: {  	[smem:$0x3FB0] =	sst s4  }
0xd: {  	[smem:$0x3FB1] =	sst s5  }
0xe: {  	[smem:$0x3FB2] =	sst s6  }
0xf: {  	[smem:$0x3FB3] =	sst s7  }
0x10: {  	[smem:$0x3FB4] =	sst s8  }
0x11: {  	[smem:$0x3FB5] =	sst s9;
	s0 =	simm.s32 @!p0 $0x0  }
0x12: {  	s1 =	sld [smem:$0x3F9B];
	s0 =	simm.s32 @p0 $0x1  }
0x13: {  	[smem:$0x3FB6] =	sst s0;
	s0 =	simm.s32 @!p1 $0x0  }
0x14: {  	s2 =	sld [smem:$0x3F9A];
	s0 =	simm.s32 @p1 $0x1  }
0x15: {  	[smem:$0x3FB7] =	sst s0;
	s0 =	simm.s32 @!p2 $0x0  }
0x16: {  	s3 =	sld [smem:$0x3FDB];
	s0 =	simm.s32 @p2 $0x1  }
0x17: {  	s4 =	simm.s32 $0x1BF5;
	[smem:$0x3FB9] =	sst s0  }
0x18: {  	s0 =	sld [smem:$0x3F9C];
	_ =	swait.ge [sflag:s4], $0x0  }
0x19: {  	s7 =	sld [smem:$0x3F9D]  }
0x1a: {  	s8 =	sadd.s32 $0xFFFFE003, lr  }
0x1b: {  	s9 =	sadd.s32 $0xFFFFFEF7, lr;
	s5 =	simm.s32 $0xFFFFFFFF;
	p2 =	slt.u32 s8, $0xFFFFF086  }
0x1c: {  	p1 =	slt.u32 s9, $0xF7A;
	s5 =	simm.s32 @!p2 $0x0  }
0x1d: {  	s5 =	simm.s32 @p1 $0x1;
	p0 =	seq.s32 s7, s2  }
0x1e: {  	s7 =	smul.u32 @!p0 $0xF7A, s2;
	p2 =	seq.s32 @!p0 s5, $0x0  }
0x1f: {  	s9 =	smul.u32 $0xF7A, s1;
	s8 =	simm.s32 @!p0 $0x1BF5;
	p2 =	por !p2, p0  }
0x20: {  	[sflag:s8] =	ssyncset.s32 @!p0 $0xFFFFF086;
	s6 =	sadd.s32 @!p0 s3, s7;
	s7 =	simm.s32 @!p0 $0x108  }
0x21: {  	s3 =	sadd.s32 s3, s9;
	s6 =	sadd.s32 @!p0 $0x88, s6;
	s7 =	simm.s32 @p2 $0x1082  }
0x22: {  	[simem:s7], [sflag:s8] =	dma.local @!p0 [hbm:s6], $0xF7A  }
0x23: {  	s9 =	sor.u32 $0xD0000000, s2;
	s6 =	simm.s32 $0x108;
	_ =	swait.ge @!p0 [sflag:s8], $0x0  }
0x24: {  	s3 =	sadd.s32 $0x88, s3;
	s6 =	simm.s32 @!p1 $0x1082;
	[sflag:s4] =	ssyncset.s32 $0xFFFFF086  }
0x25: {  	[simem:s6], [sflag:s4] =	dma.local [hbm:s3], $0xF7A  }
0x26: {  	[smem:$0x3F9D] =	sst s1;
	(tag) =	ssettag s2;
	_ =	strace s9  }
0x27: {  	s1 =	sld [smem:$0x3FAD]  }
0x28: {  	s2 =	sld [smem:$0x3FAE]  }
0x29: {  	s4 =	sld [smem:$0x3FB0]  }
0x2a: {  	p0 =	seq.s32 s5, $0x0;
	s5 =	sld [smem:$0x3FB1]  }
0x2b: {  	s6 =	sld [smem:$0x3FB2]  }
0x2c: {  	s7 =	sld [smem:$0x3FB3]  }
0x2d: {  	s3 =	simm.s32 $0x108;
	s8 =	sld [smem:$0x3FB4]  }
0x2e: {  	s3 =	simm.s32 @!p0 $0x1082;
	s9 =	sld [smem:$0x3FB5]  }
0x2f: {  	lr =	sadd.s32 s0, s3;
	s0 =	sld [smem:$0x3FAC]  }
0x30: {  	s3 =	sld [smem:$0x3FAF]  }
0x31: {  	[smem:$0x3FB8] =	sst s10  }
0x32: {  	s10 =	sld [smem:$0x3FB6];
	_ =	sdelay $0x3  }
0x33: {  	p0 =	seq.s32 s10, $0x1;
	s10 =	sld [smem:$0x3FB8];
	_ =	sdelay $0x3  }
0x34: {  	[smem:$0x3FB8] =	sst s10  }
0x35: {  	s10 =	sld [smem:$0x3FB7];
	_ =	sdelay $0x3  }
0x36: {  	p1 =	seq.s32 s10, $0x1;
	s10 =	sld [smem:$0x3FB8];
	_ =	sdelay $0x3  }
0x37: {  	[smem:$0x3FB8] =	sst s10  }
0x38: {  	s10 =	sld [smem:$0x3FB9]  }
0x39: {  	_ = 	snop;
	(pc) =	sbr.ind lr, $3  }
0x3a: {  	_ = 	snop  }
0x3b: {  	_ = 	snop  }
0x3c: {  	p2 =	seq.s32 s10, $0x1;
	s10 =	sld [smem:$0x3FB8]  }
0x3d: {  	_ =	shalt  }
0x3e: {  	_ =	shalt  }
0x3f: {  	_ =	shalt  }
0x40: {  	_ =	shalt  }
0x41: {  	_ =	shalt  }
0x42: {  	_ =	shalt  }
0x43: {  	_ =	shalt  }
0x44: {  	_ =	shalt  }
0x45: {  	_ =	shalt  }
0x46: {  	_ =	shalt  }
0x47: {  	_ =	shalt  }
0x48: {  	_ =	shalt  }
0x49: {  	_ =	shalt  }
0x4a: {  	_ =	shalt  }
0x4b: {  	_ =	shalt  }
0x4c: {  	_ =	shalt  }
0x4d: {  	_ =	shalt  }
0x4e: {  	_ =	shalt  }
0x4f: {  	_ =	shalt  }
0x50: {  	_ =	shalt  }
0x51: {  	_ =	shalt  }
0x52: {  	_ =	shalt  }
0x53: {  	_ =	shalt  }
0x54: {  	_ =	shalt  }
0x55: {  	_ =	shalt  }
0x56: {  	_ =	shalt  }
0x57: {  	_ =	shalt  }
0x58: {  	_ =	shalt  }
0x59: {  	_ =	shalt  }
0x5a: {  	_ =	shalt  }
0x5b: {  	_ =	shalt  }
0x5c: {  	_ =	shalt  }
0x5d: {  	_ =	shalt  }
0x5e: {  	_ =	shalt  }
0x5f: {  	_ =	shalt  }
0x60: {  	_ =	shalt  }
0x61: {  	_ =	shalt  }
0x62: {  	_ =	shalt  }
0x63: {  	_ =	shalt  }
0x64: {  	_ =	shalt  }
0x65: {  	_ =	shalt  }
0x66: {  	_ =	shalt  }
0x67: {  	_ =	shalt  }
0x68: {  	_ =	shalt  }
0x69: {  	_ =	shalt  }
0x6a: {  	_ =	shalt  }
0x6b: {  	_ =	shalt  }
0x6c: {  	_ =	shalt  }
0x6d: {  	_ =	shalt  }
0x6e: {  	_ =	shalt  }
0x6f: {  	_ =	shalt  }
0x70: {  	_ =	shalt  }
0x71: {  	_ =	shalt  }
0x72: {  	_ =	shalt  }
0x73: {  	_ =	shalt  }
0x74: {  	_ =	shalt  }
0x75: {  	_ =	shalt  }
0x76: {  	_ =	shalt  }
0x77: {  	_ =	shalt  }
0x78: {  	_ =	shalt  }
0x79: {  	_ =	shalt  }
0x7a: {  	_ =	shalt  }
0x7b: {  	_ =	shalt  }
0x7c: {  	_ =	shalt  }
0x7d: {  	_ =	shalt  }
0x7e: {  	_ =	shalt  }
0x7f: {  	_ =	shalt  }
0x80: {  	_ =	shalt  }
0x81: {  	_ =	shalt  }
0x82: {  	_ =	shalt  }
0x83: {  	_ =	shalt  }
0x84: {  	_ =	shalt  }
0x85: {  	_ =	shalt  }
0x86: {  	_ =	shalt  }
0x87: {  	_ =	shalt  }
.Lfunc_end0:
.L_simem_size_0:
called_computation_lowered:
.L_overlay_start_0:
0x88: {  	s2 =	sld [smem:$0x3FD9]  }
0x89: {  	s3 =	sld [smem:$0x3FFE];
	_ =	sdelay $0x1  }
0x8a: {  	s1 =	srdreg.scid  }
0x8b: {  	s0 =	sand.u32 $0x1, s1  }
0x8c: {  	s16 =	sshll.u32 s0, $0xA;
	s2 =	sadd.s32 s3, s2  }
0x8d: {  	s2 =	sadd.s32 s2, s16  }
0x8e: {  	[smem:$0x3FC4] =	sst s2  }
0x8f: {  	_ = 	snop  }
0x90: {  	(tm) =	ssettm $0x1  }
0x91: {  	s17 =	sld [smem:$0x3FFB];
	_ =	sdelay $0x3  }
0x92: {  	_ =	strace s17  }
0x93: {  	s2 =	sld [smem:$0x3FFC];
	_ =	sdelay $0x3  }
0x94: {  	_ =	strace s2  }
0x95: {  	s2 =	sld [smem:$0x3FFD];
	_ =	sdelay $0x3  }
0x96: {  	_ =	strace s2  }
0x97: {  	_ =	strace $0x8FFFFFFF  }
0x98: {  	s18 =	sld [smem:$0x3FDB];
	_ =	sdelay $0x1  }
0x99: {  	s19 =	simm.s32 $_scs_section_size  }
0x9a: {  	s4 =	simm.s32 $_size__tile_overlayer_lowered;
	s5 =	simm.s32 $_tile_overlayer_lowered  }
0x9b: {  	s22 =	simm.s32 $0x1BFF;
	s21 =	sshll.u32 s5, $0x1;
	s2 =	sadd.s32 s19, s18  }
0x9c: {  	s6 =	simm.s32 $0x0;
	s20 =	sshll.u32 s4, $0x1;
	s4 =	sadd.s32 s21, s2  }
0x9d: {  	[timem:s6], [sflag:s22] =	dma.local [hbm:s4], s20  }
0x9e: {  	_ =	swait.ge [sflag:s22], s20  }
0x9f: {  	s3 =	ssub.s32 $0x0, s20;
	[sflag:s22] =	ssyncset.done $0x0  }
0xa0: {  	[sflag:s22] =	ssyncadd.s32 s3;
	_ =	sdelay $0x1  }
0xa1: {  	s23 =	simm.s32 $0x1B8B  }
0xa2: {  	_ =	swait.ge [sflag:s23], $0x1  }
0xa3: {  	[sflag:s23] =	ssyncset.done $0x0  }
0xa4: {  	s25 =	simm.s32 $0x1B8E;
	s24 =	sld [smem:$0x3FFE];
	[sflag:s23] =	ssyncadd.s32 $0xFFFFFFFF  }
0xa5: {  	s26 =	simm.s32 $execute0_lowered;
	[smem:$0x3FD2] =	sst s25  }
0xa6: {  	s4 =	sshll.u32 s26, $0x1;
	_ =	strace $0x80000046;
	[dreg:$0x1] =	wrdreg $0xFFFFFFFF  }
0xa7: {  	s28 =	simm.s32 $_size_execute0_lowered;
	s2 =	sadd.s32 s2, s4;
	[dreg:$0x0] =	wrdreg $0x0  }
0xa8: {  	s4 =	sshll.u32 s28, $0x1;
	[dreg:$0x2] =	wrdreg s2  }
0xa9: {  	[dreg:$0x3] =	wrdreg s4  }
0xaa: {  	[dreg:$0x4] =	wrdreg $0xC0  }
0xab: {  	_ =	task [dreg:s6], $0x5FFFF  }
0xac: {  	[dreg:$0x1] =	wrdreg $0xFFFFFFFF  }
0xad: {  	[dreg:$0x0] =	wrdreg $0x60  }
0xae: {  	[dreg:$0x2] =	wrdreg s24  }
0xaf: {  	[dreg:$0x3] =	wrdreg $0x9  }
0xb0: {  	_ =	task.clear_ibuf [dreg:s6], $0x4FFFF;
	_ =	strace $0x90000046  }
0xb1: {  	s29 =	simm.s32 $0x9;
	_ =	strace $0x80000048  }
0xb2: {  	_ =	swait.ge [sflag:s29], $0x1  }
0xb3: {  	[sflag:s29] =	ssyncadd.s32 $0xFFFFFFFF  }
0xb4: {  	_ =	strace $0x90000048  }
0xb5: {  	_ =	sfence  }
0xb6: {  	s30 =	sld [smem:$0x0];
	_ =	sdelay $0x2  }
0xb7: {  	s31 =	sshll.u32 s1, $0xD;
	s1 =	sshrl.u32 s1, $0x2  }
0xb8: {  	s3 =	sand.u32 $0x4000, s31;
	s1 =	sadd.s32 s1, s30  }
0xb9: {  	s0 =	sor.u32 s3, s0;
	s1 =	sshll.u32 s1, $0x11  }
0xba: {  	s0 =	sor.u32 s1, s0  }
0xbb: {  	s0 =	sadd.s32 $0x8F2B, s0  }
0xbc: {  	[sflag:s0] =	ssyncadd.remote.s32 $0x1  }
0xbd: {  	_ =	sfence.sel $0xFFFF  }
0xbe: {  	[dreg:$0x0] =	wrdreg $0xFFFFFFFF;
	(pc) =	sbr.abs _section_cstart, $3  }
0xbf: {  	[dreg:$0x1] =	wrdreg $0xFFFFFFFF  }
0xc0: {  	_ =	task.clear_ibuf [dreg:s6], $0x2FFFF;
	_ =	strace $0x9FFFFFFF  }
0xc1: {  	(tm) =	ssettm $0x7FFFFFFF  }
tec
execute0_lowered:
.L_overlay_start_1:
0x0: {  	(tag) =	ssettag $0x1  }
0x1: {  	s1 =	srdreg.scid;
	s0 =	stileid.u32  }
0x2: {  	s5 =	rddreg [dreg:$0x0];
	s2 =	simm.s32 $0x0;
	s10 =	simm.s32 $0x10400  }
0x3: {  	s11 =	simm.s32 $0x2;
	s12 =	simm.s32 $0x18600;
	s13 =	simm.s32 $0x1  }
0x4: {  	s14 =	simm.s32 $0x1A600;
	s15 =	simm.s32 $0x3;
	s16 =	simm.s32 $0x4  }
0x5: {  	s17 =	simm.s32 $0x1C600;
	s18 =	simm.s32 $0x5;
	s19 =	simm.s32 $0x0  }
0x6: {  	s3 =	sand.u32 $0x1, s1;
	s4 =	sshll.u32 s0, $0x8;
	[smem:$0x7FF] =	sst s2  }
0x7: {  	s1 =	rddreg [dreg:$0x1];
	s6 =	sshll.u32 s3, $0x7;
	_ =	strace $0x80000047  }
0x8: {  	s7 =	ssub.s32 $0x2, s3;
	s3 =	sadd.s32 $0x187A00, s5;
	s4 =	sor.u32 s6, s4  }
0x9: {  	s9 =	sshrl.u32 s7, $0x1;
	s6 =	sshrl.u32 s4, $0x3;
	s8 =	sshll.u32 s4, $0x2  }
0xa: {  	s4 =	sadd.s32 $0x21800, s5;
	s7 =	ssub.s32 s7, s9;
	s9 =	simm.s32 $0x1000  }
0xb: {  	s6 =	sadd.s32 s6, s5;
	s8 =	sadd.s32 s8, s5;
	s7 =	smax.u32 s7, $0x1  }
0xc: {  	v0 =	vimm.f32 $0.0e+00;
	s5 =	sadd.s32 $0x1000, s6;
	s6 =	sadd.s32 $0x23A00, s8;
	s8 =	simm.s32 $0x80  }
.LBB2_1:
0xd: {  	[tilespmem:s2], [sflag:$0x1] =	stream.linear.gather [hbm4b:s4+s2], $0x10400, $0x38;
	[tilespmem:$0x1D600] =	vst v63  }
0xe: {  	s20 =	simm.s32 $0x80;
	s21 =	simm.s32 $0x0  }
0xf: {  	[tilespmem:s10], [sflag:$0x2] =	stream.strided.gather [hbm4b:s5+s8], $0x8200, s9, s8, $0x38;
	[tilespmem:$0x1D600] =	vst v63  }
.LBB2_2:
0x10: {  	p0 =	sne.s32 s20, $0x3F80;
	[tilespmem:s21+$0x1C600] =	vst v0;
	s22 =	smov.u32 s20;
	s20 =	sadd.s32 $0x80, s20  }
.Ltmp0:
0x11: {  	[tilespmem:s21+$0x1C610] =	vst v0;
	(pc) =	sbr.rel @p0 .LBB2_2-.Ltmp0, $2  }
0x12: {  	_ =	sdelay $0x2  }
0x13: {  	s21 =	sshra.s32 s22, $0x2  }
0x14: {  	[tilespmem:s21+$0x1C600] =	vst v0  }
0x15: {  	[tilespmem:s21+$0x1C610] =	vst v0  }
0x16: {  	_ =	swait.ge [sflag:s11], $0x8200  }
0x17: {  	[sflag:s11] =	ssyncset.done $0x0  }
0x18: {  	[sflag:s11] =	ssyncadd.s32 $0xFFFF7E00  }
0x19: {  	[tilespmem:s12], [sflag:$0x3] =	stream.indirect.gather [hbm4b:s3+s8], $0x40, s10, s8, $0xb8;
	[tilespmem:$0x1D600] =	vst v63  }
0x1a: {  	_ =	swait.ge [sflag:s13], $0x10400  }
0x1b: {  	[sflag:s13] =	ssyncset.done $0x0  }
0x1c: {  	s20 =	simm.s32 $0x0;
	[sflag:s13] =	ssyncadd.s32 $0xFFFEFC00  }
.LBB2_4:
0x1d: {  	s21 =	sshllo.u32 s20, $0x1  }
0x1e: {  	s22 =	sshll.u32 s21, $0x7  }
0x1f: {  	s22 =	sand.u32 $0x3FFFFF80, s22  }
0x20: {  	s22 =	sadd.s32 $0x10400, s22  }
0x21: {  	[tilespmem:s14], [sflag:$0x4] =	stream.indirect.gather [hbm4b:s3+s8], $0x40, s22, s8, $0xb8;
	[tilespmem:$0x1D600] =	vst v63  }
0x22: {  	_ =	swait.ge [sflag:s15], $0x2000  }
0x23: {  	s31 =	sshll.u32 s20, $0x9;
	[sflag:s15] =	ssyncset.done $0x0  }
0x24: {  	s24 =	sand.u32 $0x3FFFFE00, s31;
	[sflag:s15] =	ssyncadd.s32 $0xFFFFE000  }
0x25: {  	v1 =	vld [tilespmem:s24+$0x0]  }
0x26: {  	v2 =	vld [tilespmem:s24+$0x10]  }
0x27: {  	v3 =	vld [tilespmem:s24+$0x20]  }
0x28: {  	v4 =	vld [tilespmem:s24+$0x30]  }
0x29: {  	s22 =	simm.s32 $0x18680;
	v5 =	vld [tilespmem:s24+$0x80]  }
0x2a: {  	v10 =	vld [tilespmem:s22+$0xFFFFFF80]  }
0x2b: {  	s23 =	simm.s32 $0x1C640;
	v6 =	vld [tilespmem:s24+$0x90]  }
0x2c: {  	v11 =	vld [tilespmem:s23+$0xFFFFFFC0]  }
0x2d: {  	v12 =	vld [tilespmem:s23+$0xFFFFFFD0]  }
0x2e: {  	v13 =	vld [tilespmem:s22+$0xFFFFFF90]  }
0x2f: {  	v7 =	vld [tilespmem:s24+$0x40];
	v14 =	vshll.u32 v10, $0x10  }
0x30: {  	v8 =	vld [tilespmem:s24+$0xA0];
	v15 =	vmul.f32 v14, v1  }
0x31: {  	v9 =	vld [tilespmem:s24+$0xB0];
	v16 =	vand.u32 $0xFFFF0000, v10;
	v14 =	vmul.f32 v14, v5  }
0x32: {  	v18 =	vld [tilespmem:s22+$0xFFFFFFA0];
	v17 =	vmul.f32 v16, v2;
	v15 =	vadd.f32 v15, v11  }
0x33: {  	v10 =	vld [tilespmem:s24+$0x50];
	v19 =	vshll.u32 v13, $0x10;
	v16 =	vmul.f32 v16, v6;
	v14 =	vadd.f32 v14, v12  }
0x34: {  	v11 =	vld [tilespmem:s24+$0xC0];
	v15 =	vadd.f32 v15, v17;
	v17 =	vmul.f32 v19, v3  }
0x35: {  	v20 =	vand.u32 $0xFFFF0000, v13;
	v12 =	vld [tilespmem:s24+$0xD0];
	v14 =	vadd.f32 v14, v16;
	v16 =	vmul.f32 v19, v8  }
0x36: {  	v19 =	vld [tilespmem:s22+$0xFFFFFFB0];
	v15 =	vadd.f32 v15, v17;
	v17 =	vmul.f32 v20, v4  }
0x37: {  	v13 =	vld [tilespmem:s24+$0x60];
	v21 =	vshll.u32 v18, $0x10;
	v16 =	vadd.f32 v14, v16;
	v20 =	vmul.f32 v20, v9  }
0x38: {  	v22 =	vmul.f32 v21, v7;
	v14 =	vld [tilespmem:s24+$0xE0];
	v17 =	vadd.f32 v15, v17  }
0x39: {  	v18 =	vand.u32 $0xFFFF0000, v18;
	v21 =	vmul.f32 v21, v11;
	v15 =	vld [tilespmem:s24+$0x70];
	v20 =	vadd.f32 v16, v20  }
0x3a: {  	v16 =	vld [tilespmem:s24+$0xF0];
	v17 =	vadd.f32 v17, v22;
	v22 =	vmul.f32 v18, v10  }
0x3b: {  	v20 =	vadd.f32 v20, v21;
	v18 =	vmul.f32 v18, v12;
	v21 =	vshll.u32 v19, $0x10  }
0x3c: {  	v17 =	vadd.f32 v17, v22;
	v22 =	vmul.f32 v21, v13  }
0x3d: {  	v19 =	vand.u32 $0xFFFF0000, v19;
	v18 =	vadd.f32 v20, v18;
	v20 =	vmul.f32 v21, v14  }
0x3e: {  	v21 =	vmul.f32 v19, v15;
	v17 =	vadd.f32 v17, v22  }
0x3f: {  	v19 =	vmul.f32 v19, v16;
	v18 =	vadd.f32 v18, v20  }
0x40: {  	v17 =	vadd.f32 v17, v21  }
0x41: {  	v18 =	vadd.f32 v18, v19  }
0x42: {  	[tilespmem:s23+$0xFFFFFFC0] =	vst v17  }
0x43: {  	[tilespmem:s23+$0xFFFFFFD0] =	vst v18  }
0x44: {  	v17 =	vld [tilespmem:s22+$0xFFFFFFC0];
	_ =	sdelay $0x1  }
0x45: {  	v20 =	vld [tilespmem:s23+$0xFFFFFFF0]  }
0x46: {  	v19 =	vld [tilespmem:s23+$0xFFFFFFE0]  }
0x47: {  	v18 =	vld [tilespmem:s22+$0xFFFFFFD0]  }
0x48: {  	v21 =	vshll.u32 v17, $0x10  }
0x49: {  	v22 =	vmul.f32 v21, v1  }
0x4a: {  	v17 =	vand.u32 $0xFFFF0000, v17;
	v21 =	vmul.f32 v21, v5  }
0x4b: {  	v23 =	vld [tilespmem:s22+$0xFFFFFFE0];
	v19 =	vadd.f32 v22, v19;
	v22 =	vmul.f32 v17, v2  }
0x4c: {  	v24 =	vshll.u32 v18, $0x10;
	v17 =	vmul.f32 v17, v6;
	v20 =	vadd.f32 v21, v20  }
0x4d: {  	v21 =	vmul.f32 v24, v3;
	v19 =	vadd.f32 v19, v22  }
0x4e: {  	v18 =	vand.u32 $0xFFFF0000, v18;
	v22 =	vmul.f32 v24, v8;
	v17 =	vadd.f32 v20, v17  }
0x4f: {  	v20 =	vmul.f32 v18, v4;
	v19 =	vadd.f32 v19, v21;
	v21 =	vld [tilespmem:s22+$0xFFFFFFF0]  }
0x50: {  	v18 =	vmul.f32 v18, v9;
	v17 =	vadd.f32 v17, v22;
	v22 =	vshll.u32 v23, $0x10  }
0x51: {  	v19 =	vadd.f32 v19, v20;
	v20 =	vmul.f32 v22, v7  }
0x52: {  	v23 =	vand.u32 $0xFFFF0000, v23;
	v17 =	vadd.f32 v17, v18;
	v18 =	vmul.f32 v22, v11  }
0x53: {  	v19 =	vadd.f32 v19, v20;
	v20 =	vmul.f32 v23, v10  }
0x54: {  	v17 =	vadd.f32 v17, v18;
	v18 =	vmul.f32 v23, v12;
	v22 =	vshll.u32 v21, $0x10  }
0x55: {  	v19 =	vadd.f32 v19, v20;
	v20 =	vmul.f32 v22, v13  }
0x56: {  	v17 =	vadd.f32 v17, v18;
	v18 =	vand.u32 $0xFFFF0000, v21;
	v21 =	vmul.f32 v22, v14  }
0x57: {  	v19 =	vadd.f32 v19, v20;
	v20 =	vmul.f32 v18, v15  }
0x58: {  	v17 =	vadd.f32 v17, v21;
	v18 =	vmul.f32 v18, v16  }
0x59: {  	v19 =	vadd.f32 v19, v20  }
0x5a: {  	v17 =	vadd.f32 v17, v18  }
0x5b: {  	[tilespmem:s23+$0xFFFFFFE0] =	vst v19  }
0x5c: {  	[tilespmem:s23+$0xFFFFFFF0] =	vst v17  }
0x5d: {  	v17 =	vld [tilespmem:s22+$0x0];
	_ =	sdelay $0x1  }
0x5e: {  	v18 =	vld [tilespmem:s23+$0x10]  }
0x5f: {  	v19 =	vld [tilespmem:s23+$0x0]  }
0x60: {  	v20 =	vld [tilespmem:s22+$0x10]  }
0x61: {  	v21 =	vshll.u32 v17, $0x10  }
0x62: {  	v22 =	vmul.f32 v21, v1  }
0x63: {  	v17 =	vand.u32 $0xFFFF0000, v17;
	v21 =	vmul.f32 v21, v5  }
0x64: {  	v23 =	vld [tilespmem:s22+$0x20];
	v19 =	vadd.f32 v22, v19;
	v22 =	vmul.f32 v17, v2  }
0x65: {  	v17 =	vmul.f32 v17, v6;
	v18 =	vadd.f32 v21, v18;
	v21 =	vshll.u32 v20, $0x10  }
0x66: {  	v19 =	vadd.f32 v19, v22;
	v22 =	vmul.f32 v21, v3  }
0x67: {  	v20 =	vand.u32 $0xFFFF0000, v20;
	v17 =	vadd.f32 v18, v17;
	v18 =	vmul.f32 v21, v8  }
0x68: {  	v21 =	vmul.f32 v20, v4;
	v19 =	vadd.f32 v19, v22;
	v22 =	vld [tilespmem:s22+$0x30]  }
0x69: {  	v17 =	vadd.f32 v17, v18;
	v18 =	vmul.f32 v20, v9;
	v20 =	vshll.u32 v23, $0x10  }
0x6a: {  	v19 =	vadd.f32 v19, v21;
	v21 =	vmul.f32 v20, v7  }
0x6b: {  	v23 =	vand.u32 $0xFFFF0000, v23;
	v17 =	vadd.f32 v17, v18;
	v18 =	vmul.f32 v20, v11  }
0x6c: {  	v20 =	vmul.f32 v23, v10;
	v19 =	vadd.f32 v19, v21  }
0x6d: {  	v17 =	vadd.f32 v17, v18;
	v18 =	vmul.f32 v23, v12;
	v21 =	vshll.u32 v22, $0x10  }
0x6e: {  	v19 =	vadd.f32 v19, v20;
	v20 =	vmul.f32 v21, v13  }
0x6f: {  	v17 =	vadd.f32 v17, v18;
	v18 =	vand.u32 $0xFFFF0000, v22;
	v21 =	vmul.f32 v21, v14  }
0x70: {  	v19 =	vadd.f32 v19, v20;
	v20 =	vmul.f32 v18, v15  }
0x71: {  	v17 =	vadd.f32 v17, v21;
	v18 =	vmul.f32 v18, v16  }
0x72: {  	v19 =	vadd.f32 v19, v20  }
0x73: {  	v17 =	vadd.f32 v17, v18  }
0x74: {  	[tilespmem:s23+$0x0] =	vst v19  }
0x75: {  	[tilespmem:s23+$0x10] =	vst v17  }
0x76: {  	v17 =	vld [tilespmem:s22+$0x40]  }
0x77: {  	v18 =	vld [tilespmem:s23+$0x30]  }
0x78: {  	v19 =	vld [tilespmem:s22+$0x50]  }
0x79: {  	v20 =	vld [tilespmem:s23+$0x20];
	_ =	sdelay $0x1  }
0x7a: {  	v21 =	vshll.u32 v17, $0x10  }
0x7b: {  	v22 =	vld [tilespmem:s22+$0x60];
	v17 =	vand.u32 $0xFFFF0000, v17;
	v23 =	vmul.f32 v21, v1;
	v21 =	vmul.f32 v21, v5  }
0x7c: {  	v60 =	vshll.u32 v19, $0x10;
	v25 =	vmul.f32 v17, v6  }
0x7d: {  	v17 =	vmul.f32 v17, v2;
	v20 =	vadd.f32 v23, v20;
	v18 =	vadd.f32 v21, v18  }
0x7e: {  	v19 =	vand.u32 $0xFFFF0000, v19;
	v21 =	vmul.f32 v60, v8  }
0x7f: {  	v23 =	vld [tilespmem:s22+$0x70];
	v17 =	vadd.f32 v20, v17;
	v18 =	vadd.f32 v18, v25;
	v20 =	vmul.f32 v60, v3  }
0x80: {  	v61 =	vshll.u32 v22, $0x10;
	v62 =	vmul.f32 v19, v9  }
0x81: {  	v19 =	vmul.f32 v19, v4;
	v17 =	vadd.f32 v17, v20;
	v18 =	vadd.f32 v18, v21  }
0x82: {  	v20 =	vand.u32 $0xFFFF0000, v22;
	v21 =	vmul.f32 v61, v11  }
0x83: {  	v17 =	vadd.f32 v17, v19;
	v18 =	vadd.f32 v18, v62;
	v19 =	vmul.f32 v61, v7  }
0x84: {  	v22 =	vshll.u32 v23, $0x10;
	v63 =	vmul.f32 v20, v12  }
0x85: {  	v17 =	vadd.f32 v17, v19;
	v19 =	vmul.f32 v20, v10;
	v18 =	vadd.f32 v18, v21  }
0x86: {  	v20 =	vand.u32 $0xFFFF0000, v23;
	v21 =	vmul.f32 v22, v14  }
0x87: {  	v19 =	vadd.f32 v17, v19;
	v23 =	vadd.f32 v18, v63;
	v18 =	vmul.f32 v22, v13  }
0x88: {  	v17 =	vmul.f32 v20, v16  }
0x89: {  	s25 =	simm.s32 $0x0;
	s24 =	simm.s32 $0x1C640;
	v20 =	vmul.f32 v20, v15;
	v18 =	vadd.f32 v19, v18;
	v19 =	vadd.f32 v23, v21  }
.LBB2_5:
0x8a: {  	s25 =	sadd.s32 $0x4, s25;
	s23 =	sadd.s32 $0x80, s23;
	s22 =	sadd.s32 $0x100, s22  }
0x8b: {  	p0 =	slt.u32 s25, $0x7C;
	v18 =	vadd.f32 v18, v20;
	v17 =	vadd.f32 v19, v17;
	_ =	sdelay $0x1  }
0x8c: {  	[tilespmem:s24+$0x20] =	vst v18  }
0x8d: {  	[tilespmem:s24+$0x30] =	vst v17;
	s24 =	smov.u32 s23  }
0x8e: {  	v17 =	vld [tilespmem:s22+$0xFFFFFF80];
	_ =	sdelay $0x1  }
0x8f: {  	v18 =	vld [tilespmem:s23+$0xFFFFFFC0]  }
0x90: {  	v19 =	vld [tilespmem:s23+$0xFFFFFFD0]  }
0x91: {  	v20 =	vld [tilespmem:s22+$0xFFFFFF90]  }
0x92: {  	v21 =	vshll.u32 v17, $0x10;
	v17 =	vand.u32 $0xFFFF0000, v17  }
0x93: {  	v22 =	vmul.f32 v21, v1;
	v21 =	vmul.f32 v21, v5  }
0x94: {  	v23 =	vmul.f32 v17, v6  }
0x95: {  	v17 =	vmul.f32 v17, v2;
	v18 =	vadd.f32 v22, v18;
	v19 =	vadd.f32 v21, v19;
	v21 =	vld [tilespmem:s22+$0xFFFFFFA0]  }
0x96: {  	v22 =	vshll.u32 v20, $0x10;
	v20 =	vand.u32 $0xFFFF0000, v20  }
0x97: {  	v17 =	vadd.f32 v18, v17;
	v18 =	vadd.f32 v19, v23;
	v19 =	vmul.f32 v22, v3  }
0x98: {  	v22 =	vmul.f32 v22, v8  }
0x99: {  	v17 =	vadd.f32 v17, v19;
	v19 =	vmul.f32 v20, v4;
	v23 =	vld [tilespmem:s22+$0xFFFFFFB0]  }
0x9a: {  	v18 =	vadd.f32 v18, v22;
	v20 =	vmul.f32 v20, v9;
	v22 =	vshll.u32 v21, $0x10  }
0x9b: {  	v17 =	vadd.f32 v17, v19;
	v19 =	vand.u32 $0xFFFF0000, v21;
	v21 =	vmul.f32 v22, v7  }
0x9c: {  	v18 =	vadd.f32 v18, v20;
	v20 =	vmul.f32 v22, v11  }
0x9d: {  	v17 =	vadd.f32 v17, v21;
	v21 =	vmul.f32 v19, v10  }
0x9e: {  	v18 =	vadd.f32 v18, v20;
	v19 =	vmul.f32 v19, v12;
	v20 =	vshll.u32 v23, $0x10  }
0x9f: {  	v17 =	vadd.f32 v17, v21;
	v21 =	vmul.f32 v20, v13  }
0xa0: {  	v18 =	vadd.f32 v18, v19;
	v19 =	vand.u32 $0xFFFF0000, v23;
	v20 =	vmul.f32 v20, v14  }
0xa1: {  	v17 =	vadd.f32 v17, v21;
	v21 =	vmul.f32 v19, v15  }
0xa2: {  	v18 =	vadd.f32 v18, v20;
	v19 =	vmul.f32 v19, v16  }
0xa3: {  	v17 =	vadd.f32 v17, v21  }
0xa4: {  	v18 =	vadd.f32 v18, v19  }
0xa5: {  	[tilespmem:s23+$0xFFFFFFC0] =	vst v17  }
0xa6: {  	[tilespmem:s23+$0xFFFFFFD0] =	vst v18  }
0xa7: {  	v17 =	vld [tilespmem:s22+$0xFFFFFFC0]  }
0xa8: {  	v18 =	vld [tilespmem:s22+$0xFFFFFFD0]  }
0xa9: {  	v19 =	vld [tilespmem:s23+$0xFFFFFFF0]  }
0xaa: {  	v20 =	vld [tilespmem:s23+$0xFFFFFFE0];
	_ =	sdelay $0x1  }
0xab: {  	v21 =	vshll.u32 v17, $0x10;
	v17 =	vand.u32 $0xFFFF0000, v17  }
0xac: {  	v22 =	vmul.f32 v21, v1;
	v21 =	vmul.f32 v21, v5;
	v23 =	vshll.u32 v18, $0x10  }
0xad: {  	v24 =	vmul.f32 v17, v6;
	v18 =	vand.u32 $0xFFFF0000, v18  }
0xae: {  	v17 =	vmul.f32 v17, v2;
	v20 =	vadd.f32 v22, v20;
	v19 =	vadd.f32 v21, v19;
	v21 =	vld [tilespmem:s22+$0xFFFFFFE0]  }
0xaf: {  	v22 =	vmul.f32 v23, v8  }
0xb0: {  	v17 =	vadd.f32 v20, v17;
	v19 =	vadd.f32 v19, v24;
	v20 =	vmul.f32 v23, v3  }
0xb1: {  	v23 =	vmul.f32 v18, v9  }
0xb2: {  	v18 =	vmul.f32 v18, v4;
	v17 =	vadd.f32 v17, v20;
	v19 =	vadd.f32 v19, v22;
	v20 =	vld [tilespmem:s22+$0xFFFFFFF0]  }
0xb3: {  	v22 =	vshll.u32 v21, $0x10;
	v21 =	vand.u32 $0xFFFF0000, v21  }
0xb4: {  	v17 =	vadd.f32 v17, v18;
	v18 =	vadd.f32 v19, v23;
	v19 =	vmul.f32 v22, v7  }
0xb5: {  	v22 =	vmul.f32 v22, v11  }
0xb6: {  	v17 =	vadd.f32 v17, v19;
	v19 =	vmul.f32 v21, v10  }
0xb7: {  	v18 =	vadd.f32 v18, v22;
	v21 =	vmul.f32 v21, v12;
	v22 =	vshll.u32 v20, $0x10  }
0xb8: {  	v17 =	vadd.f32 v17, v19;
	v19 =	vmul.f32 v22, v13  }
0xb9: {  	v20 =	vand.u32 $0xFFFF0000, v20;
	v18 =	vadd.f32 v18, v21;
	v21 =	vmul.f32 v22, v14  }
0xba: {  	v17 =	vadd.f32 v17, v19;
	v19 =	vmul.f32 v20, v15  }
0xbb: {  	v18 =	vadd.f32 v18, v21;
	v20 =	vmul.f32 v20, v16  }
0xbc: {  	v17 =	vadd.f32 v17, v19  }
0xbd: {  	v18 =	vadd.f32 v18, v20  }
0xbe: {  	[tilespmem:s23+$0xFFFFFFE0] =	vst v17  }
0xbf: {  	[tilespmem:s23+$0xFFFFFFF0] =	vst v18  }
0xc0: {  	v17 =	vld [tilespmem:s22+$0x0];
	_ =	sdelay $0x1  }
0xc1: {  	v18 =	vld [tilespmem:s23+$0x10]  }
0xc2: {  	v19 =	vld [tilespmem:s23+$0x0]  }
0xc3: {  	v20 =	vld [tilespmem:s22+$0x10]  }
0xc4: {  	v21 =	vshll.u32 v17, $0x10;
	v17 =	vand.u32 $0xFFFF0000, v17  }
0xc5: {  	v22 =	vmul.f32 v21, v1;
	v21 =	vmul.f32 v21, v5  }
0xc6: {  	v23 =	vmul.f32 v17, v6  }
0xc7: {  	v17 =	vmul.f32 v17, v2;
	v19 =	vadd.f32 v22, v19;
	v18 =	vadd.f32 v21, v18;
	v21 =	vld [tilespmem:s22+$0x20]  }
0xc8: {  	v22 =	vshll.u32 v20, $0x10;
	v20 =	vand.u32 $0xFFFF0000, v20  }
0xc9: {  	v17 =	vadd.f32 v19, v17;
	v18 =	vadd.f32 v18, v23;
	v19 =	vmul.f32 v22, v3  }
0xca: {  	v22 =	vmul.f32 v22, v8  }
0xcb: {  	v17 =	vadd.f32 v17, v19;
	v19 =	vmul.f32 v20, v4;
	v23 =	vld [tilespmem:s22+$0x30]  }
0xcc: {  	v18 =	vadd.f32 v18, v22;
	v20 =	vmul.f32 v20, v9;
	v22 =	vshll.u32 v21, $0x10  }
0xcd: {  	v17 =	vadd.f32 v17, v19;
	v19 =	vand.u32 $0xFFFF0000, v21;
	v21 =	vmul.f32 v22, v7  }
0xce: {  	v18 =	vadd.f32 v18, v20;
	v20 =	vmul.f32 v22, v11  }
0xcf: {  	v17 =	vadd.f32 v17, v21;
	v21 =	vmul.f32 v19, v10  }
0xd0: {  	v18 =	vadd.f32 v18, v20;
	v19 =	vmul.f32 v19, v12;
	v20 =	vshll.u32 v23, $0x10  }
0xd1: {  	v17 =	vadd.f32 v17, v21;
	v21 =	vmul.f32 v20, v13  }
0xd2: {  	v18 =	vadd.f32 v18, v19;
	v19 =	vand.u32 $0xFFFF0000, v23;
	v20 =	vmul.f32 v20, v14  }
0xd3: {  	v17 =	vadd.f32 v17, v21;
	v21 =	vmul.f32 v19, v15  }
0xd4: {  	v18 =	vadd.f32 v18, v20;
	v19 =	vmul.f32 v19, v16  }
0xd5: {  	v17 =	vadd.f32 v17, v21  }
0xd6: {  	v18 =	vadd.f32 v18, v19  }
0xd7: {  	[tilespmem:s23+$0x0] =	vst v17;
	v17 =	vld [tilespmem:s23+$0x30]  }
0xd8: {  	[tilespmem:s23+$0x10] =	vst v18;
	v18 =	vld [tilespmem:s23+$0x20]  }
0xd9: {  	v19 =	vld [tilespmem:s22+$0x40]  }
0xda: {  	v20 =	vld [tilespmem:s22+$0x50]  }
0xdb: {  	v21 =	vld [tilespmem:s22+$0x60]  }
0xdc: {  	v22 =	vld [tilespmem:s22+$0x70];
	_ =	sdelay $0x1  }
0xdd: {  	v23 =	vshll.u32 v19, $0x10;
	v19 =	vand.u32 $0xFFFF0000, v19  }
0xde: {  	v24 =	vmul.f32 v23, v1;
	v23 =	vmul.f32 v23, v5;
	v25 =	vshll.u32 v20, $0x10  }
0xdf: {  	v26 =	vmul.f32 v19, v6;
	v20 =	vand.u32 $0xFFFF0000, v20;
	v27 =	vshll.u32 v21, $0x10  }
0xe0: {  	v19 =	vmul.f32 v19, v2;
	v18 =	vadd.f32 v24, v18;
	v17 =	vadd.f32 v23, v17  }
0xe1: {  	v21 =	vand.u32 $0xFFFF0000, v21;
	v23 =	vmul.f32 v25, v8;
	v24 =	vshll.u32 v22, $0x10  }
0xe2: {  	v18 =	vadd.f32 v18, v19;
	v17 =	vadd.f32 v17, v26;
	v19 =	vmul.f32 v25, v3  }
0xe3: {  	v22 =	vand.u32 $0xFFFF0000, v22;
	v25 =	vmul.f32 v20, v9  }
0xe4: {  	v18 =	vadd.f32 v18, v19;
	v19 =	vmul.f32 v20, v4;
	v17 =	vadd.f32 v17, v23  }
0xe5: {  	v20 =	vmul.f32 v27, v11  }
0xe6: {  	v18 =	vadd.f32 v18, v19;
	v17 =	vadd.f32 v17, v25;
	v19 =	vmul.f32 v27, v7  }
0xe7: {  	v23 =	vmul.f32 v21, v12  }
.Ltmp1:
0xe8: {  	v18 =	vadd.f32 v18, v19;
	v19 =	vmul.f32 v21, v10;
	v17 =	vadd.f32 v17, v20;
	(pc) =	sbr.rel @p0 .LBB2_5-.Ltmp1, $4  }
0xe9: {  	v21 =	vmul.f32 v24, v14  }
0xea: {  	v20 =	vmul.f32 v24, v13;
	v18 =	vadd.f32 v18, v19;
	v19 =	vadd.f32 v17, v23  }
0xeb: {  	v17 =	vmul.f32 v22, v16  }
0xec: {  	v18 =	vadd.f32 v18, v20;
	v20 =	vmul.f32 v22, v15;
	v19 =	vadd.f32 v19, v21  }
0xed: {  	_ = 	snop  }
0xee: {  	p0 =	seq.s32 s20, $0x81;
	v1 =	vadd.f32 v18, v20  }
0xef: {  	v2 =	vadd.f32 v19, v17;
	s22 =	sshll.u32 @!p0 s20, $0x8  }
0xf0: {  	s22 =	sand.u32 @!p0 $0x3FFFFF00, s22;
	[tilespmem:s24+$0x20] =	vst v1  }
0xf1: {  	s23 =	simm.s32 @!p0 $0x80;
	[tilespmem:s24+$0x30] =	vst v2;
	s22 =	sadd.s32 @!p0 $0x10500, s22;
	s24 =	simm.s32 @!p0 $0x18600  }
0xf2: {  	[tilespmem:s24], [sflag:$0x3] =	stream.indirect.gather @!p0 [hbm4b:s3+s23], $0x40, s22, s23, $0xb8;
	[tilespmem:$0x1D600] =	vst v63  }
0xf3: {  	_ =	swait.ge [sflag:s16], $0x2000  }
0xf4: {  	s21 =	sshll.u32 s21, $0x8;
	[sflag:s16] =	ssyncset.done $0x0  }
0xf5: {  	s31 =	sand.u32 $0x3FFFFF00, s21;
	[sflag:s16] =	ssyncadd.s32 $0xFFFFE000  }
0xf6: {  	v1 =	vld [tilespmem:s31+$0x0]  }
0xf7: {  	v2 =	vld [tilespmem:s31+$0x10]  }
0xf8: {  	v3 =	vld [tilespmem:s31+$0x20]  }
0xf9: {  	v4 =	vld [tilespmem:s31+$0x30]  }
0xfa: {  	s21 =	simm.s32 $0x1A680;
	v5 =	vld [tilespmem:s31+$0x80]  }
0xfb: {  	v10 =	vld [tilespmem:s21+$0xFFFFFF80]  }
0xfc: {  	s22 =	simm.s32 $0x1C640;
	v6 =	vld [tilespmem:s31+$0x90]  }
0xfd: {  	v11 =	vld [tilespmem:s22+$0xFFFFFFC0]  }
0xfe: {  	v12 =	vld [tilespmem:s22+$0xFFFFFFD0]  }
0xff: {  	v13 =	vld [tilespmem:s21+$0xFFFFFF90]  }
0x100: {  	v7 =	vld [tilespmem:s31+$0x40];
	v14 =	vshll.u32 v10, $0x10  }
0x101: {  	v8 =	vld [tilespmem:s31+$0xA0];
	v15 =	vmul.f32 v14, v1  }
0x102: {  	v9 =	vld [tilespmem:s31+$0xB0];
	v16 =	vand.u32 $0xFFFF0000, v10;
	v14 =	vmul.f32 v14, v5  }
0x103: {  	v18 =	vld [tilespmem:s21+$0xFFFFFFA0];
	v17 =	vmul.f32 v16, v2;
	v15 =	vadd.f32 v15, v11  }
0x104: {  	v10 =	vld [tilespmem:s31+$0x50];
	v19 =	vshll.u32 v13, $0x10;
	v16 =	vmul.f32 v16, v6;
	v14 =	vadd.f32 v14, v12  }
0x105: {  	v11 =	vld [tilespmem:s31+$0xC0];
	v15 =	vadd.f32 v15, v17;
	v17 =	vmul.f32 v19, v3  }
0x106: {  	v20 =	vand.u32 $0xFFFF0000, v13;
	v12 =	vld [tilespmem:s31+$0xD0];
	v14 =	vadd.f32 v14, v16;
	v16 =	vmul.f32 v19, v8  }
0x107: {  	v19 =	vld [tilespmem:s21+$0xFFFFFFB0];
	v15 =	vadd.f32 v15, v17;
	v17 =	vmul.f32 v20, v4  }
0x108: {  	v13 =	vld [tilespmem:s31+$0x60];
	v21 =	vshll.u32 v18, $0x10;
	v16 =	vadd.f32 v14, v16;
	v20 =	vmul.f32 v20, v9  }
0x109: {  	v22 =	vmul.f32 v21, v7;
	v14 =	vld [tilespmem:s31+$0xE0];
	v17 =	vadd.f32 v15, v17  }
0x10a: {  	v18 =	vand.u32 $0xFFFF0000, v18;
	v21 =	vmul.f32 v21, v11;
	v15 =	vld [tilespmem:s31+$0x70];
	v20 =	vadd.f32 v16, v20  }
0x10b: {  	v16 =	vld [tilespmem:s31+$0xF0];
	v17 =	vadd.f32 v17, v22;
	v22 =	vmul.f32 v18, v10  }
0x10c: {  	v20 =	vadd.f32 v20, v21;
	v18 =	vmul.f32 v18, v12;
	v21 =	vshll.u32 v19, $0x10  }
0x10d: {  	v17 =	vadd.f32 v17, v22;
	v22 =	vmul.f32 v21, v13  }
0x10e: {  	v19 =	vand.u32 $0xFFFF0000, v19;
	v18 =	vadd.f32 v20, v18;
	v20 =	vmul.f32 v21, v14  }
0x10f: {  	v21 =	vmul.f32 v19, v15;
	v17 =	vadd.f32 v17, v22  }
0x110: {  	v19 =	vmul.f32 v19, v16;
	v18 =	vadd.f32 v18, v20  }
0x111: {  	v17 =	vadd.f32 v17, v21  }
0x112: {  	v18 =	vadd.f32 v18, v19  }
0x113: {  	[tilespmem:s22+$0xFFFFFFC0] =	vst v17  }
0x114: {  	[tilespmem:s22+$0xFFFFFFD0] =	vst v18  }
0x115: {  	v17 =	vld [tilespmem:s21+$0xFFFFFFC0];
	_ =	sdelay $0x1  }
0x116: {  	v20 =	vld [tilespmem:s22+$0xFFFFFFF0]  }
0x117: {  	v19 =	vld [tilespmem:s22+$0xFFFFFFE0]  }
0x118: {  	v18 =	vld [tilespmem:s21+$0xFFFFFFD0]  }
0x119: {  	v21 =	vshll.u32 v17, $0x10  }
0x11a: {  	v22 =	vmul.f32 v21, v1  }
0x11b: {  	v17 =	vand.u32 $0xFFFF0000, v17;
	v21 =	vmul.f32 v21, v5  }
0x11c: {  	v23 =	vld [tilespmem:s21+$0xFFFFFFE0];
	v19 =	vadd.f32 v22, v19;
	v22 =	vmul.f32 v17, v2  }
0x11d: {  	v24 =	vshll.u32 v18, $0x10;
	v17 =	vmul.f32 v17, v6;
	v20 =	vadd.f32 v21, v20  }
0x11e: {  	v21 =	vmul.f32 v24, v3;
	v19 =	vadd.f32 v19, v22  }
0x11f: {  	v18 =	vand.u32 $0xFFFF0000, v18;
	v22 =	vmul.f32 v24, v8;
	v17 =	vadd.f32 v20, v17  }
0x120: {  	v20 =	vmul.f32 v18, v4;
	v19 =	vadd.f32 v19, v21;
	v21 =	vld [tilespmem:s21+$0xFFFFFFF0]  }
0x121: {  	v18 =	vmul.f32 v18, v9;
	v17 =	vadd.f32 v17, v22;
	v22 =	vshll.u32 v23, $0x10  }
0x122: {  	v19 =	vadd.f32 v19, v20;
	v20 =	vmul.f32 v22, v7  }
0x123: {  	v23 =	vand.u32 $0xFFFF0000, v23;
	v17 =	vadd.f32 v17, v18;
	v18 =	vmul.f32 v22, v11  }
0x124: {  	v19 =	vadd.f32 v19, v20;
	v20 =	vmul.f32 v23, v10  }
0x125: {  	v17 =	vadd.f32 v17, v18;
	v18 =	vmul.f32 v23, v12;
	v22 =	vshll.u32 v21, $0x10  }
0x126: {  	v19 =	vadd.f32 v19, v20;
	v20 =	vmul.f32 v22, v13  }
0x127: {  	v17 =	vadd.f32 v17, v18;
	v18 =	vand.u32 $0xFFFF0000, v21;
	v21 =	vmul.f32 v22, v14  }
0x128: {  	v19 =	vadd.f32 v19, v20;
	v20 =	vmul.f32 v18, v15  }
0x129: {  	v17 =	vadd.f32 v17, v21;
	v18 =	vmul.f32 v18, v16  }
0x12a: {  	v19 =	vadd.f32 v19, v20  }
0x12b: {  	v17 =	vadd.f32 v17, v18  }
0x12c: {  	[tilespmem:s22+$0xFFFFFFE0] =	vst v19  }
0x12d: {  	[tilespmem:s22+$0xFFFFFFF0] =	vst v17  }
0x12e: {  	v17 =	vld [tilespmem:s21+$0x0];
	_ =	sdelay $0x1  }
0x12f: {  	v18 =	vld [tilespmem:s22+$0x10]  }
0x130: {  	v19 =	vld [tilespmem:s22+$0x0]  }
0x131: {  	v20 =	vld [tilespmem:s21+$0x10]  }
0x132: {  	v21 =	vshll.u32 v17, $0x10  }
0x133: {  	v22 =	vmul.f32 v21, v1  }
0x134: {  	v17 =	vand.u32 $0xFFFF0000, v17;
	v21 =	vmul.f32 v21, v5  }
0x135: {  	v23 =	vld [tilespmem:s21+$0x20];
	v19 =	vadd.f32 v22, v19;
	v22 =	vmul.f32 v17, v2  }
0x136: {  	v17 =	vmul.f32 v17, v6;
	v18 =	vadd.f32 v21, v18;
	v21 =	vshll.u32 v20, $0x10  }
0x137: {  	v19 =	vadd.f32 v19, v22;
	v22 =	vmul.f32 v21, v3  }
0x138: {  	v20 =	vand.u32 $0xFFFF0000, v20;
	v17 =	vadd.f32 v18, v17;
	v18 =	vmul.f32 v21, v8  }
0x139: {  	v21 =	vmul.f32 v20, v4;
	v19 =	vadd.f32 v19, v22;
	v22 =	vld [tilespmem:s21+$0x30]  }
0x13a: {  	v17 =	vadd.f32 v17, v18;
	v18 =	vmul.f32 v20, v9;
	v20 =	vshll.u32 v23, $0x10  }
0x13b: {  	v19 =	vadd.f32 v19, v21;
	v21 =	vmul.f32 v20, v7  }
0x13c: {  	v23 =	vand.u32 $0xFFFF0000, v23;
	v17 =	vadd.f32 v17, v18;
	v18 =	vmul.f32 v20, v11  }
0x13d: {  	v20 =	vmul.f32 v23, v10;
	v19 =	vadd.f32 v19, v21  }
0x13e: {  	v17 =	vadd.f32 v17, v18;
	v18 =	vmul.f32 v23, v12;
	v21 =	vshll.u32 v22, $0x10  }
0x13f: {  	v19 =	vadd.f32 v19, v20;
	v20 =	vmul.f32 v21, v13  }
0x140: {  	v17 =	vadd.f32 v17, v18;
	v18 =	vand.u32 $0xFFFF0000, v22;
	v21 =	vmul.f32 v21, v14  }
0x141: {  	v19 =	vadd.f32 v19, v20;
	v20 =	vmul.f32 v18, v15  }
0x142: {  	v17 =	vadd.f32 v17, v21;
	v18 =	vmul.f32 v18, v16  }
0x143: {  	v19 =	vadd.f32 v19, v20  }
0x144: {  	v17 =	vadd.f32 v17, v18  }
0x145: {  	[tilespmem:s22+$0x0] =	vst v19  }
0x146: {  	[tilespmem:s22+$0x10] =	vst v17  }
0x147: {  	v17 =	vld [tilespmem:s21+$0x40]  }
0x148: {  	v18 =	vld [tilespmem:s22+$0x30]  }
0x149: {  	v19 =	vld [tilespmem:s21+$0x50]  }
0x14a: {  	v20 =	vld [tilespmem:s22+$0x20];
	_ =	sdelay $0x1  }
0x14b: {  	v21 =	vshll.u32 v17, $0x10  }
0x14c: {  	v22 =	vld [tilespmem:s21+$0x60];
	v17 =	vand.u32 $0xFFFF0000, v17;
	v23 =	vmul.f32 v21, v1;
	v21 =	vmul.f32 v21, v5  }
0x14d: {  	v60 =	vshll.u32 v19, $0x10;
	v25 =	vmul.f32 v17, v6  }
0x14e: {  	v17 =	vmul.f32 v17, v2;
	v20 =	vadd.f32 v23, v20;
	v18 =	vadd.f32 v21, v18  }
0x14f: {  	v19 =	vand.u32 $0xFFFF0000, v19;
	v21 =	vmul.f32 v60, v8  }
0x150: {  	v23 =	vld [tilespmem:s21+$0x70];
	v17 =	vadd.f32 v20, v17;
	v18 =	vadd.f32 v18, v25;
	v20 =	vmul.f32 v60, v3  }
0x151: {  	v61 =	vshll.u32 v22, $0x10;
	v62 =	vmul.f32 v19, v9  }
0x152: {  	v19 =	vmul.f32 v19, v4;
	v17 =	vadd.f32 v17, v20;
	v18 =	vadd.f32 v18, v21  }
0x153: {  	v20 =	vand.u32 $0xFFFF0000, v22;
	v21 =	vmul.f32 v61, v11  }
0x154: {  	v17 =	vadd.f32 v17, v19;
	v18 =	vadd.f32 v18, v62;
	v19 =	vmul.f32 v61, v7  }
0x155: {  	v22 =	vshll.u32 v23, $0x10;
	v63 =	vmul.f32 v20, v12  }
0x156: {  	v17 =	vadd.f32 v17, v19;
	v19 =	vmul.f32 v20, v10;
	v18 =	vadd.f32 v18, v21  }
0x157: {  	v20 =	vand.u32 $0xFFFF0000, v23;
	v21 =	vmul.f32 v22, v14  }
0x158: {  	v19 =	vadd.f32 v17, v19;
	v23 =	vadd.f32 v18, v63;
	v18 =	vmul.f32 v22, v13  }
0x159: {  	v17 =	vmul.f32 v20, v16  }
0x15a: {  	s24 =	simm.s32 $0x0;
	s23 =	simm.s32 $0x1C640;
	v18 =	vadd.f32 v19, v18;
	v19 =	vmul.f32 v20, v15;
	v20 =	vadd.f32 v23, v21  }
.LBB2_7:
0x15b: {  	s24 =	sadd.s32 $0x4, s24;
	s22 =	sadd.s32 $0x80, s22;
	s21 =	sadd.s32 $0x100, s21  }
0x15c: {  	p0 =	slt.u32 s24, $0x7C;
	v18 =	vadd.f32 v18, v19;
	v17 =	vadd.f32 v20, v17;
	_ =	sdelay $0x1  }
0x15d: {  	[tilespmem:s23+$0x20] =	vst v18  }
0x15e: {  	[tilespmem:s23+$0x30] =	vst v17;
	s23 =	smov.u32 s22  }
0x15f: {  	v17 =	vld [tilespmem:s21+$0xFFFFFF80];
	_ =	sdelay $0x1  }
0x160: {  	v18 =	vld [tilespmem:s22+$0xFFFFFFC0]  }
0x161: {  	v19 =	vld [tilespmem:s22+$0xFFFFFFD0]  }
0x162: {  	v20 =	vld [tilespmem:s21+$0xFFFFFF90]  }
0x163: {  	v21 =	vshll.u32 v17, $0x10;
	v17 =	vand.u32 $0xFFFF0000, v17  }
0x164: {  	v22 =	vmul.f32 v21, v1;
	v21 =	vmul.f32 v21, v5  }
0x165: {  	v23 =	vmul.f32 v17, v6  }
0x166: {  	v17 =	vmul.f32 v17, v2;
	v18 =	vadd.f32 v22, v18;
	v19 =	vadd.f32 v21, v19;
	v21 =	vld [tilespmem:s21+$0xFFFFFFA0]  }
0x167: {  	v22 =	vshll.u32 v20, $0x10;
	v20 =	vand.u32 $0xFFFF0000, v20  }
0x168: {  	v17 =	vadd.f32 v18, v17;
	v18 =	vadd.f32 v19, v23;
	v19 =	vmul.f32 v22, v3  }
0x169: {  	v22 =	vmul.f32 v22, v8  }
0x16a: {  	v17 =	vadd.f32 v17, v19;
	v19 =	vmul.f32 v20, v4;
	v23 =	vld [tilespmem:s21+$0xFFFFFFB0]  }
0x16b: {  	v18 =	vadd.f32 v18, v22;
	v20 =	vmul.f32 v20, v9;
	v22 =	vshll.u32 v21, $0x10  }
0x16c: {  	v17 =	vadd.f32 v17, v19;
	v19 =	vand.u32 $0xFFFF0000, v21;
	v21 =	vmul.f32 v22, v7  }
0x16d: {  	v18 =	vadd.f32 v18, v20;
	v20 =	vmul.f32 v22, v11  }
0x16e: {  	v17 =	vadd.f32 v17, v21;
	v21 =	vmul.f32 v19, v10  }
0x16f: {  	v18 =	vadd.f32 v18, v20;
	v19 =	vmul.f32 v19, v12;
	v20 =	vshll.u32 v23, $0x10  }
0x170: {  	v17 =	vadd.f32 v17, v21;
	v21 =	vmul.f32 v20, v13  }
0x171: {  	v18 =	vadd.f32 v18, v19;
	v19 =	vand.u32 $0xFFFF0000, v23;
	v20 =	vmul.f32 v20, v14  }
0x172: {  	v17 =	vadd.f32 v17, v21;
	v21 =	vmul.f32 v19, v15  }
0x173: {  	v18 =	vadd.f32 v18, v20;
	v19 =	vmul.f32 v19, v16  }
0x174: {  	v17 =	vadd.f32 v17, v21  }
0x175: {  	v18 =	vadd.f32 v18, v19  }
0x176: {  	[tilespmem:s22+$0xFFFFFFC0] =	vst v17  }
0x177: {  	[tilespmem:s22+$0xFFFFFFD0] =	vst v18  }
0x178: {  	v17 =	vld [tilespmem:s21+$0xFFFFFFC0]  }
0x179: {  	v18 =	vld [tilespmem:s21+$0xFFFFFFD0]  }
0x17a: {  	v19 =	vld [tilespmem:s22+$0xFFFFFFF0]  }
0x17b: {  	v20 =	vld [tilespmem:s22+$0xFFFFFFE0];
	_ =	sdelay $0x1  }
0x17c: {  	v21 =	vshll.u32 v17, $0x10;
	v17 =	vand.u32 $0xFFFF0000, v17  }
0x17d: {  	v22 =	vmul.f32 v21, v1;
	v21 =	vmul.f32 v21, v5;
	v23 =	vshll.u32 v18, $0x10  }
0x17e: {  	v24 =	vmul.f32 v17, v6;
	v18 =	vand.u32 $0xFFFF0000, v18  }
0x17f: {  	v17 =	vmul.f32 v17, v2;
	v20 =	vadd.f32 v22, v20;
	v19 =	vadd.f32 v21, v19;
	v21 =	vld [tilespmem:s21+$0xFFFFFFE0]  }
0x180: {  	v22 =	vmul.f32 v23, v8  }
0x181: {  	v17 =	vadd.f32 v20, v17;
	v19 =	vadd.f32 v19, v24;
	v20 =	vmul.f32 v23, v3  }
0x182: {  	v23 =	vmul.f32 v18, v9  }
0x183: {  	v18 =	vmul.f32 v18, v4;
	v17 =	vadd.f32 v17, v20;
	v19 =	vadd.f32 v19, v22;
	v20 =	vld [tilespmem:s21+$0xFFFFFFF0]  }
0x184: {  	v22 =	vshll.u32 v21, $0x10;
	v21 =	vand.u32 $0xFFFF0000, v21  }
0x185: {  	v17 =	vadd.f32 v17, v18;
	v18 =	vadd.f32 v19, v23;
	v19 =	vmul.f32 v22, v7  }
0x186: {  	v22 =	vmul.f32 v22, v11  }
0x187: {  	v17 =	vadd.f32 v17, v19;
	v19 =	vmul.f32 v21, v10  }
0x188: {  	v18 =	vadd.f32 v18, v22;
	v21 =	vmul.f32 v21, v12;
	v22 =	vshll.u32 v20, $0x10  }
0x189: {  	v17 =	vadd.f32 v17, v19;
	v19 =	vmul.f32 v22, v13  }
0x18a: {  	v20 =	vand.u32 $0xFFFF0000, v20;
	v18 =	vadd.f32 v18, v21;
	v21 =	vmul.f32 v22, v14  }
0x18b: {  	v17 =	vadd.f32 v17, v19;
	v19 =	vmul.f32 v20, v15  }
0x18c: {  	v18 =	vadd.f32 v18, v21;
	v20 =	vmul.f32 v20, v16  }
0x18d: {  	v17 =	vadd.f32 v17, v19  }
0x18e: {  	v18 =	vadd.f32 v18, v20  }
0x18f: {  	[tilespmem:s22+$0xFFFFFFE0] =	vst v17  }
0x190: {  	[tilespmem:s22+$0xFFFFFFF0] =	vst v18  }
0x191: {  	v17 =	vld [tilespmem:s21+$0x0];
	_ =	sdelay $0x1  }
0x192: {  	v18 =	vld [tilespmem:s22+$0x10]  }
0x193: {  	v19 =	vld [tilespmem:s22+$0x0]  }
0x194: {  	v20 =	vld [tilespmem:s21+$0x10]  }
0x195: {  	v21 =	vshll.u32 v17, $0x10;
	v17 =	vand.u32 $0xFFFF0000, v17  }
0x196: {  	v22 =	vmul.f32 v21, v1;
	v21 =	vmul.f32 v21, v5  }
0x197: {  	v23 =	vmul.f32 v17, v6  }
0x198: {  	v17 =	vmul.f32 v17, v2;
	v19 =	vadd.f32 v22, v19;
	v18 =	vadd.f32 v21, v18;
	v21 =	vld [tilespmem:s21+$0x20]  }
0x199: {  	v22 =	vshll.u32 v20, $0x10;
	v20 =	vand.u32 $0xFFFF0000, v20  }
0x19a: {  	v17 =	vadd.f32 v19, v17;
	v18 =	vadd.f32 v18, v23;
	v19 =	vmul.f32 v22, v3  }
0x19b: {  	v22 =	vmul.f32 v22, v8  }
0x19c: {  	v17 =	vadd.f32 v17, v19;
	v19 =	vmul.f32 v20, v4;
	v23 =	vld [tilespmem:s21+$0x30]  }
0x19d: {  	v18 =	vadd.f32 v18, v22;
	v20 =	vmul.f32 v20, v9;
	v22 =	vshll.u32 v21, $0x10  }
0x19e: {  	v17 =	vadd.f32 v17, v19;
	v19 =	vand.u32 $0xFFFF0000, v21;
	v21 =	vmul.f32 v22, v7  }
0x19f: {  	v18 =	vadd.f32 v18, v20;
	v20 =	vmul.f32 v22, v11  }
0x1a0: {  	v17 =	vadd.f32 v17, v21;
	v21 =	vmul.f32 v19, v10  }
0x1a1: {  	v18 =	vadd.f32 v18, v20;
	v19 =	vmul.f32 v19, v12;
	v20 =	vshll.u32 v23, $0x10  }
0x1a2: {  	v17 =	vadd.f32 v17, v21;
	v21 =	vmul.f32 v20, v13  }
0x1a3: {  	v18 =	vadd.f32 v18, v19;
	v19 =	vand.u32 $0xFFFF0000, v23;
	v20 =	vmul.f32 v20, v14  }
0x1a4: {  	v17 =	vadd.f32 v17, v21;
	v21 =	vmul.f32 v19, v15  }
0x1a5: {  	v18 =	vadd.f32 v18, v20;
	v19 =	vmul.f32 v19, v16  }
0x1a6: {  	v17 =	vadd.f32 v17, v21  }
0x1a7: {  	v18 =	vadd.f32 v18, v19  }
0x1a8: {  	[tilespmem:s22+$0x0] =	vst v17;
	v17 =	vld [tilespmem:s22+$0x30]  }
0x1a9: {  	[tilespmem:s22+$0x10] =	vst v18;
	v18 =	vld [tilespmem:s22+$0x20]  }
0x1aa: {  	v19 =	vld [tilespmem:s21+$0x40]  }
0x1ab: {  	v20 =	vld [tilespmem:s21+$0x50]  }
0x1ac: {  	v21 =	vld [tilespmem:s21+$0x60]  }
0x1ad: {  	v22 =	vld [tilespmem:s21+$0x70];
	_ =	sdelay $0x1  }
0x1ae: {  	v23 =	vshll.u32 v19, $0x10;
	v19 =	vand.u32 $0xFFFF0000, v19  }
0x1af: {  	v24 =	vmul.f32 v23, v1;
	v23 =	vmul.f32 v23, v5;
	v25 =	vshll.u32 v20, $0x10  }
0x1b0: {  	v26 =	vmul.f32 v19, v6;
	v20 =	vand.u32 $0xFFFF0000, v20;
	v27 =	vshll.u32 v21, $0x10  }
0x1b1: {  	v19 =	vmul.f32 v19, v2;
	v18 =	vadd.f32 v24, v18;
	v17 =	vadd.f32 v23, v17  }
0x1b2: {  	v21 =	vand.u32 $0xFFFF0000, v21;
	v23 =	vmul.f32 v25, v8;
	v24 =	vshll.u32 v22, $0x10  }
0x1b3: {  	v18 =	vadd.f32 v18, v19;
	v17 =	vadd.f32 v17, v26;
	v19 =	vmul.f32 v25, v3  }
0x1b4: {  	v22 =	vand.u32 $0xFFFF0000, v22;
	v25 =	vmul.f32 v20, v9  }
0x1b5: {  	v18 =	vadd.f32 v18, v19;
	v19 =	vmul.f32 v20, v4;
	v17 =	vadd.f32 v17, v23  }
0x1b6: {  	v20 =	vmul.f32 v27, v11  }
0x1b7: {  	v18 =	vadd.f32 v18, v19;
	v17 =	vadd.f32 v17, v25;
	v19 =	vmul.f32 v27, v7  }
0x1b8: {  	v23 =	vmul.f32 v21, v12  }
.Ltmp2:
0x1b9: {  	v18 =	vadd.f32 v18, v19;
	v19 =	vmul.f32 v21, v10;
	v17 =	vadd.f32 v17, v20;
	(pc) =	sbr.rel @p0 .LBB2_7-.Ltmp2, $4  }
0x1ba: {  	v20 =	vmul.f32 v24, v14  }
0x1bb: {  	v18 =	vadd.f32 v18, v19;
	v21 =	vadd.f32 v17, v23;
	v19 =	vmul.f32 v24, v13  }
0x1bc: {  	v17 =	vmul.f32 v22, v16  }
0x1bd: {  	v18 =	vadd.f32 v18, v19;
	v19 =	vmul.f32 v22, v15;
	v20 =	vadd.f32 v21, v20  }
0x1be: {  	s20 =	sadd.s32 $0x1, s20  }
0x1bf: {  	p0 =	sne.s32 s20, $0x82  }
.Ltmp3:
0x1c0: {  	_ = 	snop;
	(pc) =	sbr.rel @p0 .LBB2_4-.Ltmp3, $4  }
0x1c1: {  	v1 =	vadd.f32 v18, v19  }
0x1c2: {  	v2 =	vadd.f32 v20, v17  }
0x1c3: {  	[tilespmem:s23+$0x20] =	vst v1  }
0x1c4: {  	[tilespmem:s23+$0x30] =	vst v2  }
0x1c5: {  	s19 =	sadd.s32 $0x1, s19  }
0x1c6: {  	p0 =	sne.s32 s19, s7  }
.Ltmp4:
0x1c7: {  	_ = 	snop;
	(pc) =	sbr.rel @p0 .LBB2_1-.Ltmp4, $4  }
0x1c8: {  	[hbm4b:s6+s2] =	stream.linear.scatter [tilespmem:s17], [sflag:$0x5], $0x1000, $0x38;
	[tilespmem:$0x1D600] =	vst v63  }
0x1c9: {  	_ =	swait.ge [sflag:s18], $0x1000  }
0x1ca: {  	[sflag:s18] =	ssyncset.done $0x0  }
0x1cb: {  	[sflag:s18] =	ssyncadd.s32 $0xFFFFF000  }
0x1cc: {  	_ =	sfence.sel $0x180000  }
0x1cd: {  	[bflag:$0x0] =	sbarrier.arrive $0xFFFF  }
0x1ce: {  	p0 =	sne.s32 s0, $0x0;
	_ =	strace $0x90000047  }
0x1cf: {  	s0 =	sadd.s32 @!p0 $0x100000, s1;
	[bflag:$0x2] =	sbarrier.arrive $0xFFFF  }
0x1d0: {  	[sflag:s0] =	ssyncadd.tile.s32 @!p0 $0x1;
	_ =	shalt  }
.Lfunc_end2:
_tile_overlayer_lowered:
.L_overlay_start_2:
0x1d1: {  	(tag) =	ssettag $0x2  }
0x1d2: {  	s0 =	rddreg [dreg:$0x0];
	s2 =	stileid.u32  }
0x1d3: {  	s1 =	rddreg [dreg:$0x1];
	p0 =	sne.s32 s2, $0x0  }
0x1d4: {  	s3 =	rddreg [dreg:$0x2];
	[bflag:$0x3] =	sbarrier.arrive $0xFFFF;
	s2 =	simm.s32 @!p0 $0x1C05  }
0x1d5: {  	[timem:s3], [sflag:s2] =	dma.local @!p0 [hbm:s0], s1  }
0x1d6: {  	s0 =	simm.s32 @!p0 $0x5  }
0x1d7: {  	_ =	swait.ge @!p0 [sflag:s0], s1  }
0x1d8: {  	s1 =	ssub.s32 @!p0 $0x0, s1;
	[sflag:s0] =	ssyncset.done @!p0 $0x0  }
0x1d9: {  	[sflag:s0] =	ssyncadd.s32 @!p0 s1  }
0x1da: {  	[bflag:$0x3] =	sbarrier.arrive $0xFFFF  }
0x1db: {  	_ =	shalt  }

</sc_bundles>
